<compile_context>
chip_gen: v7x
topology: tpu7x:2x2x1
jax: 0.10.2.dev20260603
libtpu: 0.0.44.dev20260713+nightly
codegen_flags: <defaults>
</compile_context>

<pallas_src>
import functools

import jax
import jax.numpy as jnp
from jax import lax
from jax.experimental import pallas as pl
from jax.experimental.pallas import tpu as pltpu
from jax.experimental.pallas import tpu_sc as plsc

N = 10000
E = 320000
F = 128
G = 64
NC = 2
NS = 16
NW = NC * NS
K = 80
CHD = (E // NW) // K
CHA = (E // NS) // K
NP = 10240
RPT = NP // NS
HN = NP // 2
ACC_R = HN + 8
RPA = HN // NS
ZR = 64
DW = 16

_mesh = plsc.VectorSubcoreMesh(
    core_axis_name="c", subcore_axis_name="s", num_cores=NC, num_subcores=NS)

_f32 = jnp.float32


@functools.partial(
    pl.kernel,
    out_type=jax.ShapeDtypeStruct((NC, ACC_R, F), _f32),
    mesh=_mesh,
    scratch_types=[
        pltpu.VMEM((CHA, K), jnp.int32),
        pltpu.VMEM((CHA, K), jnp.int32),
        pltpu.VMEM((K, F), _f32),
        pltpu.VMEM((K, F), _f32),
        pltpu.VMEM_SHARED((ACC_R, F), _f32),
        pltpu.SemaphoreType.DMA,
        pltpu.SemaphoreType.DMA,
        pltpu.SemaphoreType.DMA,
        pltpu.SemaphoreType.DMA,
    ],
)
def _agg_kernel(src_hbm, rdst_hbm, hp_hbm, zeros_hbm, out_hbm,
                srcv, dstv, rows0, rows1, accum, gsem0, gsem1, ssem0, ssem1):
    c = lax.axis_index("c")
    s = lax.axis_index("s")

    @pl.when(s == 0)
    def _():
        pltpu.sync_copy(zeros_hbm, accum)
    plsc.subcore_barrier()

    pltpu.sync_copy(src_hbm.at[s], srcv)
    pltpu.sync_copy(rdst_hbm.at[c, s], dstv)

    def scat(rows, j, ssem):
        cps = []
        for q in range(K // 16):
            idx16 = dstv[j, pl.ds(q * 16, 16)]
            cps.append(pltpu.async_copy(rows.at[pl.ds(q * 16, 16)],
                                        accum.at[idx16], ssem, add=True))
        for cp in cps:
            cp.wait()

    pltpu.async_copy(hp_hbm.at[srcv.at[0]], rows0, gsem0)

    def pair(t, _):
        j0 = 2 * t
        j1 = 2 * t + 1
        pltpu.async_copy(hp_hbm.at[srcv.at[j1]], rows1, gsem1)
        pltpu.make_async_copy(hp_hbm.at[srcv.at[j0]], rows0, gsem0).wait()
        scat(rows0, j0, ssem0)

        @pl.when(j0 + 2 < CHA)
        def _():
            pltpu.async_copy(hp_hbm.at[srcv.at[j0 + 2]], rows0, gsem0)
        pltpu.make_async_copy(hp_hbm.at[srcv.at[j1]], rows1, gsem1).wait()
        scat(rows1, j1, ssem1)
        return 0
    lax.fori_loop(0, CHA // 2, pair, 0)

    plsc.subcore_barrier()

    @pl.when(s == 0)
    def _():
        pltpu.sync_copy(accum, out_hbm.at[c])


def _stitch(agg_ref):
    return jnp.concatenate([agg_ref[0, :HN], agg_ref[1, :N - HN]], axis=0)


def _tc_prep(dst_ref, rdst_ref):
    d = dst_ref[...]
    rdst_ref[0] = jnp.where(d < HN, d, HN)
    d1 = d - HN
    rdst_ref[1] = jnp.where(d1 >= 0, d1, HN)


_tc_prep_call = pl.pallas_call(
    _tc_prep,
    out_shape=jax.ShapeDtypeStruct((NC, NS, CHA, K), jnp.int32))


def _tc_a(x_ref, w1t_ref, degagg_ref, hp_ref, dinv_ref):
    deg = 1.0 + _stitch(degagg_ref)[:, 0:1]
    dinv = lax.rsqrt(deg)
    dinv_ref[...] = dinv
    hp_ref[...] = dinv * jnp.dot(x_ref[...], w1t_ref[...],
                                 preferred_element_type=_f32)


_tc_a_call = pl.pallas_call(
    _tc_a,
    out_shape=(jax.ShapeDtypeStruct((N, F), _f32),
               jax.ShapeDtypeStruct((N, 1), _f32)),
)


def _bn_relu(agg, hp, dinv, b, g, be):
    t = dinv * (agg + hp) + b
    mu = jnp.mean(t, axis=0, keepdims=True)
    var = jnp.mean((t - mu) ** 2, axis=0, keepdims=True)
    return jnp.maximum(g * (t - mu) * lax.rsqrt(var + 1e-5) + be, 0.0)


def _tc_b(agg_ref, hp_ref, dinv_ref, b_ref, g_ref, be_ref, w2t_ref, out_ref):
    dinv = dinv_ref[...]
    y = _bn_relu(_stitch(agg_ref), hp_ref[...], dinv,
                 b_ref[...], g_ref[...], be_ref[...])
    out_ref[...] = dinv * jnp.dot(y, w2t_ref[...], preferred_element_type=_f32)


_tc_b_call = pl.pallas_call(
    _tc_b, out_shape=jax.ShapeDtypeStruct((N, F), _f32))


def _tc_c(agg_ref, hp_ref, dinv_ref, b_ref, g_ref, be_ref,
          batch_ref, wl1t_ref, bl1_ref, wl2t_ref, bl2_ref, out_ref):
    dinv = dinv_ref[...]
    y = _bn_relu(_stitch(agg_ref), hp_ref[...], dinv,
                 b_ref[...], g_ref[...], be_ref[...])
    gid = lax.broadcasted_iota(jnp.int32, (G, N), 0)
    oh = (gid == batch_ref[...]).astype(_f32)
    cnt = jnp.maximum(jnp.sum(oh, axis=1, keepdims=True), 1.0)
    pooled = jnp.dot(oh, y, preferred_element_type=_f32) / cnt
    r = jnp.maximum(
        jnp.dot(pooled, wl1t_ref[...], preferred_element_type=_f32)
        + bl1_ref[...], 0.0)
    out_ref[...] = (jnp.dot(r, wl2t_ref[...], preferred_element_type=_f32)
                    + bl2_ref[...])


_tc_c_call = pl.pallas_call(
    _tc_c, out_shape=jax.ShapeDtypeStruct((G, 1), _f32))


def kernel(x, edge_index, batch, W1, b1, g1, be1, W2, b2, g2, be2,
           Wl1, bl1, Wl2, bl2):
    src = edge_index[0].reshape(NS, CHA, K)
    dst = edge_index[1].reshape(NS, CHA, K)
    rdst = _tc_prep_call(dst)
    az = jnp.zeros((ACC_R, F), _f32)
    degagg = _agg_kernel(src, rdst, jnp.ones((N, F), _f32), az)
    hp1, dinv = _tc_a_call(x, W1.T, degagg)
    agg1 = _agg_kernel(src, rdst, hp1, az)
    hp2 = _tc_b_call(agg1, hp1, dinv, b1.reshape(1, F), g1.reshape(1, F),
                     be1.reshape(1, F), W2.T)
    agg2 = _agg_kernel(src, rdst, hp2, az)
    out = _tc_c_call(agg2, hp2, dinv, b2.reshape(1, F), g2.reshape(1, F),
                     be2.reshape(1, F), batch.reshape(1, N), Wl1.T,
                     bl1.reshape(1, G), Wl2.T, bl2.reshape(1, 1))
    return out.reshape(G)

# --- scband reference (transcript-rebuilt; emitter-appended) ---
"""Pipeline reference for scband-gcn-32676111188646 (READ-ONLY COPY).

The authoritative reference and input builder live on the scoring server;
editing this copy changes nothing except your own understanding.
"""

import jax, jax.numpy as jnp
import numpy as np

N = 10000
E = 320000
IN_DIM = 128
HID = 128
G = 64


def setup_inputs(seed: int = 0) -> dict:
    key = jax.random.key(seed)
    ks = jax.random.split(key, 16)
    x = jax.random.normal(ks[0], (N, IN_DIM), dtype=jnp.float32)
    edge_index = jax.random.randint(ks[1], (2, E), 0, N, dtype=jnp.int32)
    batch = jnp.sort(jax.random.randint(ks[2], (N,), 0, G, dtype=jnp.int32))
    # GCNConv layer 1 (in_dim -> hidden)
    W1 = jax.random.normal(ks[3], (HID, IN_DIM), dtype=jnp.float32) * (1.0 / np.sqrt(IN_DIM))
    b1 = jnp.zeros((HID,), dtype=jnp.float32)
    g1 = jnp.ones((HID,), dtype=jnp.float32)
    be1 = jnp.zeros((HID,), dtype=jnp.float32)
    # GCNConv layer 2 (hidden -> hidden)
    W2 = jax.random.normal(ks[4], (HID, HID), dtype=jnp.float32) * (1.0 / np.sqrt(HID))
    b2 = jnp.zeros((HID,), dtype=jnp.float32)
    g2 = jnp.ones((HID,), dtype=jnp.float32)
    be2 = jnp.zeros((HID,), dtype=jnp.float32)
    # head
    Wl1 = jax.random.normal(ks[5], (HID // 2, HID), dtype=jnp.float32) * (1.0 / np.sqrt(HID))
    bl1 = jnp.zeros((HID // 2,), dtype=jnp.float32)
    Wl2 = jax.random.normal(ks[6], (1, HID // 2), dtype=jnp.float32) * (1.0 / np.sqrt(HID // 2))
    bl2 = jnp.zeros((1,), dtype=jnp.float32)
    return {"x": x, "edge_index": edge_index, "batch": batch,
            "W1": W1, "b1": b1, "g1": g1, "be1": be1,
            "W2": W2, "b2": b2, "g2": g2, "be2": be2,
            "Wl1": Wl1, "bl1": bl1, "Wl2": Wl2, "bl2": bl2}


def gcn_conv(x, edge_index, W, b):
    # PyG GCNConv: add self loops, symmetric deg^-1/2 A deg^-1/2 normalization, linear
    n = x.shape[0]
    loop = jnp.arange(n, dtype=edge_index.dtype)
    src = jnp.concatenate([edge_index[0], loop])
    dst = jnp.concatenate([edge_index[1], loop])
    deg = jax.ops.segment_sum(jnp.ones_like(dst, dtype=x.dtype), dst, num_segments=n)
    dinv = jnp.where(deg > 0, deg ** -0.5, 0.0)
    norm = dinv[src] * dinv[dst]
    h = x @ W.T
    msg = h[src] * norm[:, None]
    out = jax.ops.segment_sum(msg, dst, num_segments=n)
    return out + b


def batchnorm(x, g, beta, eps=1e-5):
    mu = jnp.mean(x, axis=0)
    var = jnp.var(x, axis=0)
    return g * (x - mu) / jnp.sqrt(var + eps) + beta


def reference(x, edge_index, batch, W1, b1, g1, be1, W2, b2, g2, be2, Wl1, bl1, Wl2, bl2):
    h = jax.nn.relu(batchnorm(gcn_conv(x, edge_index, W1, b1), g1, be1))
    h = jax.nn.relu(batchnorm(gcn_conv(h, edge_index, W2, b2), g2, be2))
    # global mean pool over graphs
    sums = jax.ops.segment_sum(h, batch, num_segments=G)
    cnt = jax.ops.segment_sum(jnp.ones((h.shape[0],), dtype=h.dtype), batch, num_segments=G)
    pooled = sums / jnp.maximum(cnt, 1.0)[:, None]
    h = jax.nn.relu(pooled @ Wl1.T + bl1)
    out = h @ Wl2.T + bl2
    return out.squeeze(-1)

if __name__ == "__main__":
    import jax
    _d = setup_inputs()
    print(jax.jit(kernel)(*tuple(_d.values())))

</pallas_src>

<mosaic_0001>
#map = affine_map<(d0, d1) -> (0, 0, 0)>
#map1 = affine_map<(d0, d1) -> (0, 0, 0, 0)>
#map2 = affine_map<(d0, d1) -> (0, 0)>
module attributes {stable_mosaic.version = 14 : i64} {
  func.func @_agg_kernel(%arg0: i32, %arg1: i32, %arg2: memref<16x250x80xi32, #tpu.memory_space<hbm>>, %arg3: memref<2x16x250x80xi32, #tpu.memory_space<hbm>>, %arg4: memref<10000x128xf32, #tpu.memory_space<hbm>>, %arg5: memref<5128x128xf32, #tpu.memory_space<hbm>>, %arg6: memref<2x5128x128xf32, #tpu.memory_space<hbm>>, %arg7: memref<250x80xi32, #tpu.memory_space<vmem>>, %arg8: memref<250x80xi32, #tpu.memory_space<vmem>>, %arg9: memref<80x128xf32, #tpu.memory_space<vmem>>, %arg10: memref<80x128xf32, #tpu.memory_space<vmem>>, %arg11: memref<5128x128xf32, #tpu.memory_space<vmem_shared>>, %arg12: memref<!tpu.dma_semaphore, #tpu.memory_space<semaphore_mem>>, %arg13: memref<!tpu.dma_semaphore, #tpu.memory_space<semaphore_mem>>, %arg14: memref<!tpu.dma_semaphore, #tpu.memory_space<semaphore_mem>>, %arg15: memref<!tpu.dma_semaphore, #tpu.memory_space<semaphore_mem>>) attributes {dimension_semantics = [#tpu.dimension_semantics<core_parallel>, #tpu.dimension_semantics<subcore_parallel>], iteration_bounds = array<i64: 2, 16>, scalar_prefetch = 0 : i64, scratch_operands = 9 : i64, tpu.core_type = #tpu.core_type<sc_vector_subcore>, window_params = [{transform_indices = #map}, {transform_indices = #map1}, {transform_indices = #map2}, {transform_indices = #map2}, {transform_indices = #map}]} {
    %eq3A = arith.constant 0 : i32
    %eq3A_0 = arith.cmpi eq, %arg1, %eq3A : i32
    %convert_element_type3A = arith.extui %eq3A_0 : i1 to i32
    %cond3A = arith.constant 0 : i32
    %cond3A_1 = arith.cmpi ne, %convert_element_type3A, %cond3A : i32
    scf.if %cond3A_1 {
      "tpu.region"() ({
        %run_scoped3A = tpu.sem_alloc : memref<!tpu.dma_semaphore, #tpu.memory_space<semaphore_mem>>
        tpu.enqueue_dma source(%arg5 : memref<5128x128xf32, #tpu.memory_space<hbm>>) target(%arg11 : memref<5128x128xf32, #tpu.memory_space<vmem_shared>>) target_semaphore(%run_scoped3A : memref<!tpu.dma_semaphore, #tpu.memory_space<semaphore_mem>>)
        tpu.wait_dma2 semaphore(%run_scoped3A : memref<!tpu.dma_semaphore, #tpu.memory_space<semaphore_mem>>) src(%arg5 : memref<5128x128xf32, #tpu.memory_space<hbm>>) dst(%arg11 : memref<5128x128xf32, #tpu.memory_space<vmem_shared>>)
        tpu.yield
      }) : () -> ()
    } else {
    }
    %barrier3A = arith.constant 0 : index
    tpu.barrier barrier_id(%barrier3A)
    "tpu.region"() ({
      %run_scoped3A = tpu.sem_alloc : memref<!tpu.dma_semaphore, #tpu.memory_space<semaphore_mem>>
      %dma_start3A_20 = arith.constant 0 : i32
      %dma_start3A_21 = arith.constant 0 : i32
      %dma_start3A_22 = tpu.memref_slice %arg2[%arg1, %dma_start3A_20, %dma_start3A_21] : memref<16x250x80xi32, #tpu.memory_space<hbm>> -> memref<1x250x80xi32, #tpu.memory_space<hbm>>
      %dma_start3A_23 = tpu.memref_squeeze %dma_start3A_22 : memref<1x250x80xi32, #tpu.memory_space<hbm>> -> memref<250x80xi32, #tpu.memory_space<hbm>>
      %dma_start3A_24 = arith.constant 0 : i32
      %dma_start3A_25 = arith.constant 0 : i32
      %dma_start3A_26 = tpu.memref_slice %arg2[%arg1, %dma_start3A_24, %dma_start3A_25] : memref<16x250x80xi32, #tpu.memory_space<hbm>> -> memref<1x250x80xi32, #tpu.memory_space<hbm>>
      %dma_start3A_27 = tpu.memref_squeeze %dma_start3A_26 : memref<1x250x80xi32, #tpu.memory_space<hbm>> -> memref<250x80xi32, #tpu.memory_space<hbm>>
      tpu.enqueue_dma source(%dma_start3A_27 : memref<250x80xi32, #tpu.memory_space<hbm>>) target(%arg7 : memref<250x80xi32, #tpu.memory_space<vmem>>) target_semaphore(%run_scoped3A : memref<!tpu.dma_semaphore, #tpu.memory_space<semaphore_mem>>)
      %dma_wait3A = arith.constant 0 : i32
      %dma_wait3A_28 = arith.constant 0 : i32
      %dma_wait3A_29 = tpu.memref_slice %arg2[%arg1, %dma_wait3A, %dma_wait3A_28] : memref<16x250x80xi32, #tpu.memory_space<hbm>> -> memref<1x250x80xi32, #tpu.memory_space<hbm>>
      %dma_wait3A_30 = tpu.memref_squeeze %dma_wait3A_29 : memref<1x250x80xi32, #tpu.memory_space<hbm>> -> memref<250x80xi32, #tpu.memory_space<hbm>>
      %dma_wait3A_31 = arith.constant 0 : i32
      %dma_wait3A_32 = arith.constant 0 : i32
      %dma_wait3A_33 = tpu.memref_slice %arg2[%arg1, %dma_wait3A_31, %dma_wait3A_32] : memref<16x250x80xi32, #tpu.memory_space<hbm>> -> memref<1x250x80xi32, #tpu.memory_space<hbm>>
      %dma_wait3A_34 = tpu.memref_squeeze %dma_wait3A_33 : memref<1x250x80xi32, #tpu.memory_space<hbm>> -> memref<250x80xi32, #tpu.memory_space<hbm>>
      tpu.wait_dma2 semaphore(%run_scoped3A : memref<!tpu.dma_semaphore, #tpu.memory_space<semaphore_mem>>) src(%dma_wait3A_34 : memref<250x80xi32, #tpu.memory_space<hbm>>) dst(%arg7 : memref<250x80xi32, #tpu.memory_space<vmem>>)
      tpu.yield
    }) : () -> ()
    "tpu.region"() ({
      %run_scoped3A = tpu.sem_alloc : memref<!tpu.dma_semaphore, #tpu.memory_space<semaphore_mem>>
      %dma_start3A_20 = arith.constant 0 : i32
      %dma_start3A_21 = arith.constant 0 : i32
      %dma_start3A_22 = tpu.memref_slice %arg3[%arg0, %arg1, %dma_start3A_20, %dma_start3A_21] : memref<2x16x250x80xi32, #tpu.memory_space<hbm>> -> memref<1x1x250x80xi32, #tpu.memory_space<hbm>>
      %dma_start3A_23 = tpu.memref_squeeze %dma_start3A_22 : memref<1x1x250x80xi32, #tpu.memory_space<hbm>> -> memref<250x80xi32, #tpu.memory_space<hbm>>
      %dma_start3A_24 = arith.constant 0 : i32
      %dma_start3A_25 = arith.constant 0 : i32
      %dma_start3A_26 = tpu.memref_slice %arg3[%arg0, %arg1, %dma_start3A_24, %dma_start3A_25] : memref<2x16x250x80xi32, #tpu.memory_space<hbm>> -> memref<1x1x250x80xi32, #tpu.memory_space<hbm>>
      %dma_start3A_27 = tpu.memref_squeeze %dma_start3A_26 : memref<1x1x250x80xi32, #tpu.memory_space<hbm>> -> memref<250x80xi32, #tpu.memory_space<hbm>>
      tpu.enqueue_dma source(%dma_start3A_27 : memref<250x80xi32, #tpu.memory_space<hbm>>) target(%arg8 : memref<250x80xi32, #tpu.memory_space<vmem>>) target_semaphore(%run_scoped3A : memref<!tpu.dma_semaphore, #tpu.memory_space<semaphore_mem>>)
      %dma_wait3A = arith.constant 0 : i32
      %dma_wait3A_28 = arith.constant 0 : i32
      %dma_wait3A_29 = tpu.memref_slice %arg3[%arg0, %arg1, %dma_wait3A, %dma_wait3A_28] : memref<2x16x250x80xi32, #tpu.memory_space<hbm>> -> memref<1x1x250x80xi32, #tpu.memory_space<hbm>>
      %dma_wait3A_30 = tpu.memref_squeeze %dma_wait3A_29 : memref<1x1x250x80xi32, #tpu.memory_space<hbm>> -> memref<250x80xi32, #tpu.memory_space<hbm>>
      %dma_wait3A_31 = arith.constant 0 : i32
      %dma_wait3A_32 = arith.constant 0 : i32
      %dma_wait3A_33 = tpu.memref_slice %arg3[%arg0, %arg1, %dma_wait3A_31, %dma_wait3A_32] : memref<2x16x250x80xi32, #tpu.memory_space<hbm>> -> memref<1x1x250x80xi32, #tpu.memory_space<hbm>>
      %dma_wait3A_34 = tpu.memref_squeeze %dma_wait3A_33 : memref<1x1x250x80xi32, #tpu.memory_space<hbm>> -> memref<250x80xi32, #tpu.memory_space<hbm>>
      tpu.wait_dma2 semaphore(%run_scoped3A : memref<!tpu.dma_semaphore, #tpu.memory_space<semaphore_mem>>) src(%dma_wait3A_34 : memref<250x80xi32, #tpu.memory_space<hbm>>) dst(%arg8 : memref<250x80xi32, #tpu.memory_space<vmem>>)
      tpu.yield
    }) : () -> ()
    %dma_start3A = arith.constant 0 : i32
    %dma_start3A_2 = arith.constant 0 : i32
    %dma_start3A_3 = tpu.memref_slice %arg7[%dma_start3A, %dma_start3A_2] : memref<250x80xi32, #tpu.memory_space<vmem>> -> memref<1x80xi32, #tpu.memory_space<vmem>>
    %dma_start3A_4 = tpu.memref_squeeze %dma_start3A_3 : memref<1x80xi32, #tpu.memory_space<vmem>> -> memref<80xi32, #tpu.memory_space<vmem>>
    %dma_start3A_5 = arith.constant 0 : i32
    %dma_start3A_6 = arith.constant 0 : i32
    %dma_start3A_7 = tpu.memref_slice %arg4[%dma_start3A_5, %dma_start3A_6] : memref<10000x128xf32, #tpu.memory_space<hbm>> -> memref<10000x128xf32, #tpu.memory_space<hbm>>
    tpu.enqueue_indirect_dma source(%dma_start3A_7 : memref<10000x128xf32, #tpu.memory_space<hbm>>) target(%arg9 : memref<80x128xf32, #tpu.memory_space<vmem>>) offsets(%dma_start3A_4 : memref<80xi32, #tpu.memory_space<vmem>>) semaphore(%arg12 : memref<!tpu.dma_semaphore, #tpu.memory_space<semaphore_mem>>)
    %scan3A = arith.constant 0 : i32
    %scan3A_8 = arith.constant 0 : i32
    %scan3A_9 = arith.constant 125 : i32
    %scan3A_10 = arith.addi %scan3A_8, %scan3A_9 : i32
    %scan3A_11 = arith.constant 1 : i32
    %scan3A_12 = scf.for %scan3A_20 = %scan3A_8 to %scan3A_10 step %scan3A_11 iter_args(%scan3A_21 = %scan3A) -> (i32)  : i32 {
      %mul3A = arith.constant 2 : i32
      %mul3A_22 = arith.muli %mul3A, %scan3A_20 : i32
      %mul3A_23 = arith.constant 2 : i32
      %mul3A_24 = arith.muli %mul3A_23, %scan3A_20 : i32
      %add3A = arith.constant 1 : i32
      %add3A_25 = arith.addi %mul3A_24, %add3A : i32
      %dma_start3A_26 = arith.constant 0 : i32
      %dma_start3A_27 = tpu.memref_slice %arg7[%add3A_25, %dma_start3A_26] : memref<250x80xi32, #tpu.memory_space<vmem>> -> memref<1x80xi32, #tpu.memory_space<vmem>>
      %dma_start3A_28 = tpu.memref_squeeze %dma_start3A_27 : memref<1x80xi32, #tpu.memory_space<vmem>> -> memref<80xi32, #tpu.memory_space<vmem>>
      %dma_start3A_29 = arith.constant 0 : i32
      %dma_start3A_30 = arith.constant 0 : i32
      %dma_start3A_31 = tpu.memref_slice %arg4[%dma_start3A_29, %dma_start3A_30] : memref<10000x128xf32, #tpu.memory_space<hbm>> -> memref<10000x128xf32, #tpu.memory_space<hbm>>
      tpu.enqueue_indirect_dma source(%dma_start3A_31 : memref<10000x128xf32, #tpu.memory_space<hbm>>) target(%arg10 : memref<80x128xf32, #tpu.memory_space<vmem>>) offsets(%dma_start3A_28 : memref<80xi32, #tpu.memory_space<vmem>>) semaphore(%arg13 : memref<!tpu.dma_semaphore, #tpu.memory_space<semaphore_mem>>)
      %dma_wait3A = arith.constant 0 : i32
      %dma_wait3A_32 = tpu.memref_slice %arg7[%mul3A_22, %dma_wait3A] : memref<250x80xi32, #tpu.memory_space<vmem>> -> memref<1x80xi32, #tpu.memory_space<vmem>>
      %dma_wait3A_33 = tpu.memref_squeeze %dma_wait3A_32 : memref<1x80xi32, #tpu.memory_space<vmem>> -> memref<80xi32, #tpu.memory_space<vmem>>
      %dma_wait3A_34 = arith.constant 0 : i32
      %dma_wait3A_35 = arith.constant 0 : i32
      %dma_wait3A_36 = tpu.memref_slice %arg4[%dma_wait3A_34, %dma_wait3A_35] : memref<10000x128xf32, #tpu.memory_space<hbm>> -> memref<10000x128xf32, #tpu.memory_space<hbm>>
      tpu.wait_indirect_dma semaphore(%arg12 : memref<!tpu.dma_semaphore, #tpu.memory_space<semaphore_mem>>) src(%dma_wait3A_36 : memref<10000x128xf32, #tpu.memory_space<hbm>>) dst(%arg9 : memref<80x128xf32, #tpu.memory_space<vmem>>)
      %get3A = arith.index_cast %mul3A_22 : i32 to index
      %get3A_37 = arith.constant 0 : index
      %get3A_38 = tpu.vector_load %arg8[%get3A, %get3A_37] {strides = array<i32>} : memref<250x80xi32, #tpu.memory_space<vmem>>, vector<1x16xi32>,
      %get3A_39 = vector.shape_cast %get3A_38 : vector<1x16xi32> to vector<16xi32>
      %dma_start3A_40 = arith.constant 0 : i32
      %dma_start3A_41 = arith.constant 0 : i32
      %dma_start3A_42 = tpu.memref_slice %arg9[%dma_start3A_40, %dma_start3A_41] : memref<80x128xf32, #tpu.memory_space<vmem>> -> memref<16x128xf32, #tpu.memory_space<vmem>>
      %dma_start3A_43 = arith.constant 0 : i32
      %dma_start3A_44 = arith.constant 0 : i32
      %dma_start3A_45 = tpu.memref_slice %arg11[%dma_start3A_43, %dma_start3A_44] : memref<5128x128xf32, #tpu.memory_space<vmem_shared>> -> memref<5128x128xf32, #tpu.memory_space<vmem_shared>>
      tpu.enqueue_indirect_dma source(%dma_start3A_42 : memref<16x128xf32, #tpu.memory_space<vmem>>) target(%dma_start3A_45 : memref<5128x128xf32, #tpu.memory_space<vmem_shared>>) offsets(%get3A_39 : vector<16xi32>) semaphore(%arg14 : memref<!tpu.dma_semaphore, #tpu.memory_space<semaphore_mem>>) {add = true}
      %get3A_46 = arith.index_cast %mul3A_22 : i32 to index
      %get3A_47 = arith.constant 16 : index
      %get3A_48 = tpu.vector_load %arg8[%get3A_46, %get3A_47] {strides = array<i32>} : memref<250x80xi32, #tpu.memory_space<vmem>>, vector<1x16xi32>,
      %get3A_49 = vector.shape_cast %get3A_48 : vector<1x16xi32> to vector<16xi32>
      %dma_start3A_50 = arith.constant 16 : i32
      %dma_start3A_51 = arith.constant 0 : i32
      %dma_start3A_52 = tpu.memref_slice %arg9[%dma_start3A_50, %dma_start3A_51] : memref<80x128xf32, #tpu.memory_space<vmem>> -> memref<16x128xf32, #tpu.memory_space<vmem>>
      %dma_start3A_53 = arith.constant 0 : i32
      %dma_start3A_54 = arith.constant 0 : i32
      %dma_start3A_55 = tpu.memref_slice %arg11[%dma_start3A_53, %dma_start3A_54] : memref<5128x128xf32, #tpu.memory_space<vmem_shared>> -> memref<5128x128xf32, #tpu.memory_space<vmem_shared>>
      tpu.enqueue_indirect_dma source(%dma_start3A_52 : memref<16x128xf32, #tpu.memory_space<vmem>>) target(%dma_start3A_55 : memref<5128x128xf32, #tpu.memory_space<vmem_shared>>) offsets(%get3A_49 : vector<16xi32>) semaphore(%arg14 : memref<!tpu.dma_semaphore, #tpu.memory_space<semaphore_mem>>) {add = true}
      %get3A_56 = arith.index_cast %mul3A_22 : i32 to index
      %get3A_57 = arith.constant 32 : index
      %get3A_58 = tpu.vector_load %arg8[%get3A_56, %get3A_57] {strides = array<i32>} : memref<250x80xi32, #tpu.memory_space<vmem>>, vector<1x16xi32>,
      %get3A_59 = vector.shape_cast %get3A_58 : vector<1x16xi32> to vector<16xi32>
      %dma_start3A_60 = arith.constant 32 : i32
      %dma_start3A_61 = arith.constant 0 : i32
      %dma_start3A_62 = tpu.memref_slice %arg9[%dma_start3A_60, %dma_start3A_61] : memref<80x128xf32, #tpu.memory_space<vmem>> -> memref<16x128xf32, #tpu.memory_space<vmem>>
      %dma_start3A_63 = arith.constant 0 : i32
      %dma_start3A_64 = arith.constant 0 : i32
      %dma_start3A_65 = tpu.memref_slice %arg11[%dma_start3A_63, %dma_start3A_64] : memref<5128x128xf32, #tpu.memory_space<vmem_shared>> -> memref<5128x128xf32, #tpu.memory_space<vmem_shared>>
      tpu.enqueue_indirect_dma source(%dma_start3A_62 : memref<16x128xf32, #tpu.memory_space<vmem>>) target(%dma_start3A_65 : memref<5128x128xf32, #tpu.memory_space<vmem_shared>>) offsets(%get3A_59 : vector<16xi32>) semaphore(%arg14 : memref<!tpu.dma_semaphore, #tpu.memory_space<semaphore_mem>>) {add = true}
      %get3A_66 = arith.index_cast %mul3A_22 : i32 to index
      %get3A_67 = arith.constant 48 : index
      %get3A_68 = tpu.vector_load %arg8[%get3A_66, %get3A_67] {strides = array<i32>} : memref<250x80xi32, #tpu.memory_space<vmem>>, vector<1x16xi32>,
      %get3A_69 = vector.shape_cast %get3A_68 : vector<1x16xi32> to vector<16xi32>
      %dma_start3A_70 = arith.constant 48 : i32
      %dma_start3A_71 = arith.constant 0 : i32
      %dma_start3A_72 = tpu.memref_slice %arg9[%dma_start3A_70, %dma_start3A_71] : memref<80x128xf32, #tpu.memory_space<vmem>> -> memref<16x128xf32, #tpu.memory_space<vmem>>
      %dma_start3A_73 = arith.constant 0 : i32
      %dma_start3A_74 = arith.constant 0 : i32
      %dma_start3A_75 = tpu.memref_slice %arg11[%dma_start3A_73, %dma_start3A_74] : memref<5128x128xf32, #tpu.memory_space<vmem_shared>> -> memref<5128x128xf32, #tpu.memory_space<vmem_shared>>
      tpu.enqueue_indirect_dma source(%dma_start3A_72 : memref<16x128xf32, #tpu.memory_space<vmem>>) target(%dma_start3A_75 : memref<5128x128xf32, #tpu.memory_space<vmem_shared>>) offsets(%get3A_69 : vector<16xi32>) semaphore(%arg14 : memref<!tpu.dma_semaphore, #tpu.memory_space<semaphore_mem>>) {add = true}
      %get3A_76 = arith.index_cast %mul3A_22 : i32 to index
      %get3A_77 = arith.constant 64 : index
      %get3A_78 = tpu.vector_load %arg8[%get3A_76, %get3A_77] {strides = array<i32>} : memref<250x80xi32, #tpu.memory_space<vmem>>, vector<1x16xi32>,
      %get3A_79 = vector.shape_cast %get3A_78 : vector<1x16xi32> to vector<16xi32>
      %dma_start3A_80 = arith.constant 64 : i32
      %dma_start3A_81 = arith.constant 0 : i32
      %dma_start3A_82 = tpu.memref_slice %arg9[%dma_start3A_80, %dma_start3A_81] : memref<80x128xf32, #tpu.memory_space<vmem>> -> memref<16x128xf32, #tpu.memory_space<vmem>>
      %dma_start3A_83 = arith.constant 0 : i32
      %dma_start3A_84 = arith.constant 0 : i32
      %dma_start3A_85 = tpu.memref_slice %arg11[%dma_start3A_83, %dma_start3A_84] : memref<5128x128xf32, #tpu.memory_space<vmem_shared>> -> memref<5128x128xf32, #tpu.memory_space<vmem_shared>>
      tpu.enqueue_indirect_dma source(%dma_start3A_82 : memref<16x128xf32, #tpu.memory_space<vmem>>) target(%dma_start3A_85 : memref<5128x128xf32, #tpu.memory_space<vmem_shared>>) offsets(%get3A_79 : vector<16xi32>) semaphore(%arg14 : memref<!tpu.dma_semaphore, #tpu.memory_space<semaphore_mem>>) {add = true}
      %dma_wait3A_86 = arith.constant 0 : i32
      %dma_wait3A_87 = arith.constant 0 : i32
      %dma_wait3A_88 = tpu.memref_slice %arg9[%dma_wait3A_86, %dma_wait3A_87] : memref<80x128xf32, #tpu.memory_space<vmem>> -> memref<16x128xf32, #tpu.memory_space<vmem>>
      %dma_wait3A_89 = arith.constant 0 : i32
      %dma_wait3A_90 = arith.constant 0 : i32
      %dma_wait3A_91 = tpu.memref_slice %arg11[%dma_wait3A_89, %dma_wait3A_90] : memref<5128x128xf32, #tpu.memory_space<vmem_shared>> -> memref<5128x128xf32, #tpu.memory_space<vmem_shared>>
      tpu.wait_indirect_dma semaphore(%arg14 : memref<!tpu.dma_semaphore, #tpu.memory_space<semaphore_mem>>) src(%dma_wait3A_88 : memref<16x128xf32, #tpu.memory_space<vmem>>) dst(%dma_wait3A_91 : memref<5128x128xf32, #tpu.memory_space<vmem_shared>>)
      %dma_wait3A_92 = arith.constant 16 : i32
      %dma_wait3A_93 = arith.constant 0 : i32
      %dma_wait3A_94 = tpu.memref_slice %arg9[%dma_wait3A_92, %dma_wait3A_93] : memref<80x128xf32, #tpu.memory_space<vmem>> -> memref<16x128xf32, #tpu.memory_space<vmem>>
      %dma_wait3A_95 = arith.constant 0 : i32
      %dma_wait3A_96 = arith.constant 0 : i32
      %dma_wait3A_97 = tpu.memref_slice %arg11[%dma_wait3A_95, %dma_wait3A_96] : memref<5128x128xf32, #tpu.memory_space<vmem_shared>> -> memref<5128x128xf32, #tpu.memory_space<vmem_shared>>
      tpu.wait_indirect_dma semaphore(%arg14 : memref<!tpu.dma_semaphore, #tpu.memory_space<semaphore_mem>>) src(%dma_wait3A_94 : memref<16x128xf32, #tpu.memory_space<vmem>>) dst(%dma_wait3A_97 : memref<5128x128xf32, #tpu.memory_space<vmem_shared>>)
      %dma_wait3A_98 = arith.constant 32 : i32
      %dma_wait3A_99 = arith.constant 0 : i32
      %dma_wait3A_100 = tpu.memref_slice %arg9[%dma_wait3A_98, %dma_wait3A_99] : memref<80x128xf32, #tpu.memory_space<vmem>> -> memref<16x128xf32, #tpu.memory_space<vmem>>
      %dma_wait3A_101 = arith.constant 0 : i32
      %dma_wait3A_102 = arith.constant 0 : i32
      %dma_wait3A_103 = tpu.memref_slice %arg11[%dma_wait3A_101, %dma_wait3A_102] : memref<5128x128xf32, #tpu.memory_space<vmem_shared>> -> memref<5128x128xf32, #tpu.memory_space<vmem_shared>>
      tpu.wait_indirect_dma semaphore(%arg14 : memref<!tpu.dma_semaphore, #tpu.memory_space<semaphore_mem>>) src(%dma_wait3A_100 : memref<16x128xf32, #tpu.memory_space<vmem>>) dst(%dma_wait3A_103 : memref<5128x128xf32, #tpu.memory_space<vmem_shared>>)
      %dma_wait3A_104 = arith.constant 48 : i32
      %dma_wait3A_105 = arith.constant 0 : i32
      %dma_wait3A_106 = tpu.memref_slice %arg9[%dma_wait3A_104, %dma_wait3A_105] : memref<80x128xf32, #tpu.memory_space<vmem>> -> memref<16x128xf32, #tpu.memory_space<vmem>>
      %dma_wait3A_107 = arith.constant 0 : i32
      %dma_wait3A_108 = arith.constant 0 : i32
      %dma_wait3A_109 = tpu.memref_slice %arg11[%dma_wait3A_107, %dma_wait3A_108] : memref<5128x128xf32, #tpu.memory_space<vmem_shared>> -> memref<5128x128xf32, #tpu.memory_space<vmem_shared>>
      tpu.wait_indirect_dma semaphore(%arg14 : memref<!tpu.dma_semaphore, #tpu.memory_space<semaphore_mem>>) src(%dma_wait3A_106 : memref<16x128xf32, #tpu.memory_space<vmem>>) dst(%dma_wait3A_109 : memref<5128x128xf32, #tpu.memory_space<vmem_shared>>)
      %dma_wait3A_110 = arith.constant 64 : i32
      %dma_wait3A_111 = arith.constant 0 : i32
      %dma_wait3A_112 = tpu.memref_slice %arg9[%dma_wait3A_110, %dma_wait3A_111] : memref<80x128xf32, #tpu.memory_space<vmem>> -> memref<16x128xf32, #tpu.memory_space<vmem>>
      %dma_wait3A_113 = arith.constant 0 : i32
      %dma_wait3A_114 = arith.constant 0 : i32
      %dma_wait3A_115 = tpu.memref_slice %arg11[%dma_wait3A_113, %dma_wait3A_114] : memref<5128x128xf32, #tpu.memory_space<vmem_shared>> -> memref<5128x128xf32, #tpu.memory_space<vmem_shared>>
      tpu.wait_indirect_dma semaphore(%arg14 : memref<!tpu.dma_semaphore, #tpu.memory_space<semaphore_mem>>) src(%dma_wait3A_112 : memref<16x128xf32, #tpu.memory_space<vmem>>) dst(%dma_wait3A_115 : memref<5128x128xf32, #tpu.memory_space<vmem_shared>>)
      %add3A_116 = arith.constant 2 : i32
      %add3A_117 = arith.addi %mul3A_22, %add3A_116 : i32
      %lt3A = arith.constant 250 : i32
      %lt3A_118 = arith.cmpi slt, %add3A_117, %lt3A : i32
      %convert_element_type3A_119 = arith.extui %lt3A_118 : i1 to i32
      %cond3A_120 = arith.constant 0 : i32
      %cond3A_121 = arith.cmpi ne, %convert_element_type3A_119, %cond3A_120 : i32
      scf.if %cond3A_121 {
        %add3A_209 = arith.constant 2 : i32
        %add3A_210 = arith.addi %mul3A_22, %add3A_209 : i32
        %dma_start3A_211 = arith.constant 0 : i32
        %dma_start3A_212 = tpu.memref_slice %arg7[%add3A_210, %dma_start3A_211] : memref<250x80xi32, #tpu.memory_space<vmem>> -> memref<1x80xi32, #tpu.memory_space<vmem>>
        %dma_start3A_213 = tpu.memref_squeeze %dma_start3A_212 : memref<1x80xi32, #tpu.memory_space<vmem>> -> memref<80xi32, #tpu.memory_space<vmem>>
        %dma_start3A_214 = arith.constant 0 : i32
        %dma_start3A_215 = arith.constant 0 : i32
        %dma_start3A_216 = tpu.memref_slice %arg4[%dma_start3A_214, %dma_start3A_215] : memref<10000x128xf32, #tpu.memory_space<hbm>> -> memref<10000x128xf32, #tpu.memory_space<hbm>>
        tpu.enqueue_indirect_dma source(%dma_start3A_216 : memref<10000x128xf32, #tpu.memory_space<hbm>>) target(%arg9 : memref<80x128xf32, #tpu.memory_space<vmem>>) offsets(%dma_start3A_213 : memref<80xi32, #tpu.memory_space<vmem>>) semaphore(%arg12 : memref<!tpu.dma_semaphore, #tpu.memory_space<semaphore_mem>>)
      } else {
      }
      %dma_wait3A_122 = arith.constant 0 : i32
      %dma_wait3A_123 = tpu.memref_slice %arg7[%add3A_25, %dma_wait3A_122] : memref<250x80xi32, #tpu.memory_space<vmem>> -> memref<1x80xi32, #tpu.memory_space<vmem>>
      %dma_wait3A_124 = tpu.memref_squeeze %dma_wait3A_123 : memref<1x80xi32, #tpu.memory_space<vmem>> -> memref<80xi32, #tpu.memory_space<vmem>>
      %dma_wait3A_125 = arith.constant 0 : i32
      %dma_wait3A_126 = arith.constant 0 : i32
      %dma_wait3A_127 = tpu.memref_slice %arg4[%dma_wait3A_125, %dma_wait3A_126] : memref<10000x128xf32, #tpu.memory_space<hbm>> -> memref<10000x128xf32, #tpu.memory_space<hbm>>
      tpu.wait_indirect_dma semaphore(%arg13 : memref<!tpu.dma_semaphore, #tpu.memory_space<semaphore_mem>>) src(%dma_wait3A_127 : memref<10000x128xf32, #tpu.memory_space<hbm>>) dst(%arg10 : memref<80x128xf32, #tpu.memory_space<vmem>>)
      %get3A_128 = arith.index_cast %add3A_25 : i32 to index
      %get3A_129 = arith.constant 0 : index
      %get3A_130 = tpu.vector_load %arg8[%get3A_128, %get3A_129] {strides = array<i32>} : memref<250x80xi32, #tpu.memory_space<vmem>>, vector<1x16xi32>,
      %get3A_131 = vector.shape_cast %get3A_130 : vector<1x16xi32> to vector<16xi32>
      %dma_start3A_132 = arith.constant 0 : i32
      %dma_start3A_133 = arith.constant 0 : i32
      %dma_start3A_134 = tpu.memref_slice %arg10[%dma_start3A_132, %dma_start3A_133] : memref<80x128xf32, #tpu.memory_space<vmem>> -> memref<16x128xf32, #tpu.memory_space<vmem>>
      %dma_start3A_135 = arith.constant 0 : i32
      %dma_start3A_136 = arith.constant 0 : i32
      %dma_start3A_137 = tpu.memref_slice %arg11[%dma_start3A_135, %dma_start3A_136] : memref<5128x128xf32, #tpu.memory_space<vmem_shared>> -> memref<5128x128xf32, #tpu.memory_space<vmem_shared>>
      tpu.enqueue_indirect_dma source(%dma_start3A_134 : memref<16x128xf32, #tpu.memory_space<vmem>>) target(%dma_start3A_137 : memref<5128x128xf32, #tpu.memory_space<vmem_shared>>) offsets(%get3A_131 : vector<16xi32>) semaphore(%arg15 : memref<!tpu.dma_semaphore, #tpu.memory_space<semaphore_mem>>) {add = true}
      %get3A_138 = arith.index_cast %add3A_25 : i32 to index
      %get3A_139 = arith.constant 16 : index
      %get3A_140 = tpu.vector_load %arg8[%get3A_138, %get3A_139] {strides = array<i32>} : memref<250x80xi32, #tpu.memory_space<vmem>>, vector<1x16xi32>,
      %get3A_141 = vector.shape_cast %get3A_140 : vector<1x16xi32> to vector<16xi32>
      %dma_start3A_142 = arith.constant 16 : i32
      %dma_start3A_143 = arith.constant 0 : i32
      %dma_start3A_144 = tpu.memref_slice %arg10[%dma_start3A_142, %dma_start3A_143] : memref<80x128xf32, #tpu.memory_space<vmem>> -> memref<16x128xf32, #tpu.memory_space<vmem>>
      %dma_start3A_145 = arith.constant 0 : i32
      %dma_start3A_146 = arith.constant 0 : i32
      %dma_start3A_147 = tpu.memref_slice %arg11[%dma_start3A_145, %dma_start3A_146] : memref<5128x128xf32, #tpu.memory_space<vmem_shared>> -> memref<5128x128xf32, #tpu.memory_space<vmem_shared>>
      tpu.enqueue_indirect_dma source(%dma_start3A_144 : memref<16x128xf32, #tpu.memory_space<vmem>>) target(%dma_start3A_147 : memref<5128x128xf32, #tpu.memory_space<vmem_shared>>) offsets(%get3A_141 : vector<16xi32>) semaphore(%arg15 : memref<!tpu.dma_semaphore, #tpu.memory_space<semaphore_mem>>) {add = true}
      %get3A_148 = arith.index_cast %add3A_25 : i32 to index
      %get3A_149 = arith.constant 32 : index
      %get3A_150 = tpu.vector_load %arg8[%get3A_148, %get3A_149] {strides = array<i32>} : memref<250x80xi32, #tpu.memory_space<vmem>>, vector<1x16xi32>,
      %get3A_151 = vector.shape_cast %get3A_150 : vector<1x16xi32> to vector<16xi32>
      %dma_start3A_152 = arith.constant 32 : i32
      %dma_start3A_153 = arith.constant 0 : i32
      %dma_start3A_154 = tpu.memref_slice %arg10[%dma_start3A_152, %dma_start3A_153] : memref<80x128xf32, #tpu.memory_space<vmem>> -> memref<16x128xf32, #tpu.memory_space<vmem>>
      %dma_start3A_155 = arith.constant 0 : i32
      %dma_start3A_156 = arith.constant 0 : i32
      %dma_start3A_157 = tpu.memref_slice %arg11[%dma_start3A_155, %dma_start3A_156] : memref<5128x128xf32, #tpu.memory_space<vmem_shared>> -> memref<5128x128xf32, #tpu.memory_space<vmem_shared>>
      tpu.enqueue_indirect_dma source(%dma_start3A_154 : memref<16x128xf32, #tpu.memory_space<vmem>>) target(%dma_start3A_157 : memref<5128x128xf32, #tpu.memory_space<vmem_shared>>) offsets(%get3A_151 : vector<16xi32>) semaphore(%arg15 : memref<!tpu.dma_semaphore, #tpu.memory_space<semaphore_mem>>) {add = true}
      %get3A_158 = arith.index_cast %add3A_25 : i32 to index
      %get3A_159 = arith.constant 48 : index
      %get3A_160 = tpu.vector_load %arg8[%get3A_158, %get3A_159] {strides = array<i32>} : memref<250x80xi32, #tpu.memory_space<vmem>>, vector<1x16xi32>,
      %get3A_161 = vector.shape_cast %get3A_160 : vector<1x16xi32> to vector<16xi32>
      %dma_start3A_162 = arith.constant 48 : i32
      %dma_start3A_163 = arith.constant 0 : i32
      %dma_start3A_164 = tpu.memref_slice %arg10[%dma_start3A_162, %dma_start3A_163] : memref<80x128xf32, #tpu.memory_space<vmem>> -> memref<16x128xf32, #tpu.memory_space<vmem>>
      %dma_start3A_165 = arith.constant 0 : i32
      %dma_start3A_166 = arith.constant 0 : i32
      %dma_start3A_167 = tpu.memref_slice %arg11[%dma_start3A_165, %dma_start3A_166] : memref<5128x128xf32, #tpu.memory_space<vmem_shared>> -> memref<5128x128xf32, #tpu.memory_space<vmem_shared>>
      tpu.enqueue_indirect_dma source(%dma_start3A_164 : memref<16x128xf32, #tpu.memory_space<vmem>>) target(%dma_start3A_167 : memref<5128x128xf32, #tpu.memory_space<vmem_shared>>) offsets(%get3A_161 : vector<16xi32>) semaphore(%arg15 : memref<!tpu.dma_semaphore, #tpu.memory_space<semaphore_mem>>) {add = true}
      %get3A_168 = arith.index_cast %add3A_25 : i32 to index
      %get3A_169 = arith.constant 64 : index
      %get3A_170 = tpu.vector_load %arg8[%get3A_168, %get3A_169] {strides = array<i32>} : memref<250x80xi32, #tpu.memory_space<vmem>>, vector<1x16xi32>,
      %get3A_171 = vector.shape_cast %get3A_170 : vector<1x16xi32> to vector<16xi32>
      %dma_start3A_172 = arith.constant 64 : i32
      %dma_start3A_173 = arith.constant 0 : i32
      %dma_start3A_174 = tpu.memref_slice %arg10[%dma_start3A_172, %dma_start3A_173] : memref<80x128xf32, #tpu.memory_space<vmem>> -> memref<16x128xf32, #tpu.memory_space<vmem>>
      %dma_start3A_175 = arith.constant 0 : i32
      %dma_start3A_176 = arith.constant 0 : i32
      %dma_start3A_177 = tpu.memref_slice %arg11[%dma_start3A_175, %dma_start3A_176] : memref<5128x128xf32, #tpu.memory_space<vmem_shared>> -> memref<5128x128xf32, #tpu.memory_space<vmem_shared>>
      tpu.enqueue_indirect_dma source(%dma_start3A_174 : memref<16x128xf32, #tpu.memory_space<vmem>>) target(%dma_start3A_177 : memref<5128x128xf32, #tpu.memory_space<vmem_shared>>) offsets(%get3A_171 : vector<16xi32>) semaphore(%arg15 : memref<!tpu.dma_semaphore, #tpu.memory_space<semaphore_mem>>) {add = true}
      %dma_wait3A_178 = arith.constant 0 : i32
      %dma_wait3A_179 = arith.constant 0 : i32
      %dma_wait3A_180 = tpu.memref_slice %arg10[%dma_wait3A_178, %dma_wait3A_179] : memref<80x128xf32, #tpu.memory_space<vmem>> -> memref<16x128xf32, #tpu.memory_space<vmem>>
      %dma_wait3A_181 = arith.constant 0 : i32
      %dma_wait3A_182 = arith.constant 0 : i32
      %dma_wait3A_183 = tpu.memref_slice %arg11[%dma_wait3A_181, %dma_wait3A_182] : memref<5128x128xf32, #tpu.memory_space<vmem_shared>> -> memref<5128x128xf32, #tpu.memory_space<vmem_shared>>
      tpu.wait_indirect_dma semaphore(%arg15 : memref<!tpu.dma_semaphore, #tpu.memory_space<semaphore_mem>>) src(%dma_wait3A_180 : memref<16x128xf32, #tpu.memory_space<vmem>>) dst(%dma_wait3A_183 : memref<5128x128xf32, #tpu.memory_space<vmem_shared>>)
      %dma_wait3A_184 = arith.constant 16 : i32
      %dma_wait3A_185 = arith.constant 0 : i32
      %dma_wait3A_186 = tpu.memref_slice %arg10[%dma_wait3A_184, %dma_wait3A_185] : memref<80x128xf32, #tpu.memory_space<vmem>> -> memref<16x128xf32, #tpu.memory_space<vmem>>
      %dma_wait3A_187 = arith.constant 0 : i32
      %dma_wait3A_188 = arith.constant 0 : i32
      %dma_wait3A_189 = tpu.memref_slice %arg11[%dma_wait3A_187, %dma_wait3A_188] : memref<5128x128xf32, #tpu.memory_space<vmem_shared>> -> memref<5128x128xf32, #tpu.memory_space<vmem_shared>>
      tpu.wait_indirect_dma semaphore(%arg15 : memref<!tpu.dma_semaphore, #tpu.memory_space<semaphore_mem>>) src(%dma_wait3A_186 : memref<16x128xf32, #tpu.memory_space<vmem>>) dst(%dma_wait3A_189 : memref<5128x128xf32, #tpu.memory_space<vmem_shared>>)
      %dma_wait3A_190 = arith.constant 32 : i32
      %dma_wait3A_191 = arith.constant 0 : i32
      %dma_wait3A_192 = tpu.memref_slice %arg10[%dma_wait3A_190, %dma_wait3A_191] : memref<80x128xf32, #tpu.memory_space<vmem>> -> memref<16x128xf32, #tpu.memory_space<vmem>>
      %dma_wait3A_193 = arith.constant 0 : i32
      %dma_wait3A_194 = arith.constant 0 : i32
      %dma_wait3A_195 = tpu.memref_slice %arg11[%dma_wait3A_193, %dma_wait3A_194] : memref<5128x128xf32, #tpu.memory_space<vmem_shared>> -> memref<5128x128xf32, #tpu.memory_space<vmem_shared>>
      tpu.wait_indirect_dma semaphore(%arg15 : memref<!tpu.dma_semaphore, #tpu.memory_space<semaphore_mem>>) src(%dma_wait3A_192 : memref<16x128xf32, #tpu.memory_space<vmem>>) dst(%dma_wait3A_195 : memref<5128x128xf32, #tpu.memory_space<vmem_shared>>)
      %dma_wait3A_196 = arith.constant 48 : i32
      %dma_wait3A_197 = arith.constant 0 : i32
      %dma_wait3A_198 = tpu.memref_slice %arg10[%dma_wait3A_196, %dma_wait3A_197] : memref<80x128xf32, #tpu.memory_space<vmem>> -> memref<16x128xf32, #tpu.memory_space<vmem>>
      %dma_wait3A_199 = arith.constant 0 : i32
      %dma_wait3A_200 = arith.constant 0 : i32
      %dma_wait3A_201 = tpu.memref_slice %arg11[%dma_wait3A_199, %dma_wait3A_200] : memref<5128x128xf32, #tpu.memory_space<vmem_shared>> -> memref<5128x128xf32, #tpu.memory_space<vmem_shared>>
      tpu.wait_indirect_dma semaphore(%arg15 : memref<!tpu.dma_semaphore, #tpu.memory_space<semaphore_mem>>) src(%dma_wait3A_198 : memref<16x128xf32, #tpu.memory_space<vmem>>) dst(%dma_wait3A_201 : memref<5128x128xf32, #tpu.memory_space<vmem_shared>>)
      %dma_wait3A_202 = arith.constant 64 : i32
      %dma_wait3A_203 = arith.constant 0 : i32
      %dma_wait3A_204 = tpu.memref_slice %arg10[%dma_wait3A_202, %dma_wait3A_203] : memref<80x128xf32, #tpu.memory_space<vmem>> -> memref<16x128xf32, #tpu.memory_space<vmem>>
      %dma_wait3A_205 = arith.constant 0 : i32
      %dma_wait3A_206 = arith.constant 0 : i32
      %dma_wait3A_207 = tpu.memref_slice %arg11[%dma_wait3A_205, %dma_wait3A_206] : memref<5128x128xf32, #tpu.memory_space<vmem_shared>> -> memref<5128x128xf32, #tpu.memory_space<vmem_shared>>
      tpu.wait_indirect_dma semaphore(%arg15 : memref<!tpu.dma_semaphore, #tpu.memory_space<semaphore_mem>>) src(%dma_wait3A_204 : memref<16x128xf32, #tpu.memory_space<vmem>>) dst(%dma_wait3A_207 : memref<5128x128xf32, #tpu.memory_space<vmem_shared>>)
      %scan3A_208 = arith.constant 0 : i32
      scf.yield %scan3A_208 : i32
    }
    %scan3A_13 = arith.constant 125 : i32
    %barrier3A_14 = arith.constant 0 : index
    tpu.barrier barrier_id(%barrier3A_14)
    %eq3A_15 = arith.constant 0 : i32
    %eq3A_16 = arith.cmpi eq, %arg1, %eq3A_15 : i32
    %convert_element_type3A_17 = arith.extui %eq3A_16 : i1 to i32
    %cond3A_18 = arith.constant 0 : i32
    %cond3A_19 = arith.cmpi ne, %convert_element_type3A_17, %cond3A_18 : i32
    scf.if %cond3A_19 {
      "tpu.region"() ({
        %run_scoped3A = tpu.sem_alloc : memref<!tpu.dma_semaphore, #tpu.memory_space<semaphore_mem>>
        %dma_start3A_20 = arith.constant 0 : i32
        %dma_start3A_21 = arith.constant 0 : i32
        %dma_start3A_22 = tpu.memref_slice %arg6[%arg0, %dma_start3A_20, %dma_start3A_21] : memref<2x5128x128xf32, #tpu.memory_space<hbm>> -> memref<1x5128x128xf32, #tpu.memory_space<hbm>>
        %dma_start3A_23 = tpu.memref_squeeze %dma_start3A_22 : memref<1x5128x128xf32, #tpu.memory_space<hbm>> -> memref<5128x128xf32, #tpu.memory_space<hbm>>
        tpu.enqueue_dma source(%arg11 : memref<5128x128xf32, #tpu.memory_space<vmem_shared>>) target(%dma_start3A_23 : memref<5128x128xf32, #tpu.memory_space<hbm>>) target_semaphore(%run_scoped3A : memref<!tpu.dma_semaphore, #tpu.memory_space<semaphore_mem>>)
        %dma_wait3A = arith.constant 0 : i32
        %dma_wait3A_24 = arith.constant 0 : i32
        %dma_wait3A_25 = tpu.memref_slice %arg6[%arg0, %dma_wait3A, %dma_wait3A_24] : memref<2x5128x128xf32, #tpu.memory_space<hbm>> -> memref<1x5128x128xf32, #tpu.memory_space<hbm>>
        %dma_wait3A_26 = tpu.memref_squeeze %dma_wait3A_25 : memref<1x5128x128xf32, #tpu.memory_space<hbm>> -> memref<5128x128xf32, #tpu.memory_space<hbm>>
        tpu.wait_dma2 semaphore(%run_scoped3A : memref<!tpu.dma_semaphore, #tpu.memory_space<semaphore_mem>>) src(%arg11 : memref<5128x128xf32, #tpu.memory_space<vmem_shared>>) dst(%dma_wait3A_26 : memref<5128x128xf32, #tpu.memory_space<hbm>>)
        tpu.yield
      }) : () -> ()
    } else {
    }
    return
  }
}

#map = affine_map<(d0, d1) -> (0, 0, 0)>
#map1 = affine_map<(d0, d1) -> (0, 0, 0, 0)>
#map2 = affine_map<(d0, d1) -> (0, 0)>
module attributes {stable_mosaic.version = 14 : i64} {
  func.func @_agg_kernel(%arg0: i32, %arg1: i32, %arg2: memref<16x250x80xi32, #tpu.memory_space<hbm>>, %arg3: memref<2x16x250x80xi32, #tpu.memory_space<hbm>>, %arg4: memref<10000x128xf32, #tpu.memory_space<hbm>>, %arg5: memref<5128x128xf32, #tpu.memory_space<hbm>>, %arg6: memref<2x5128x128xf32, #tpu.memory_space<hbm>>, %arg7: memref<250x80xi32, #tpu.memory_space<vmem>>, %arg8: memref<250x80xi32, #tpu.memory_space<vmem>>, %arg9: memref<80x128xf32, #tpu.memory_space<vmem>>, %arg10: memref<80x128xf32, #tpu.memory_space<vmem>>, %arg11: memref<5128x128xf32, #tpu.memory_space<vmem_shared>>, %arg12: memref<!tpu.dma_semaphore, #tpu.memory_space<semaphore_mem>>, %arg13: memref<!tpu.dma_semaphore, #tpu.memory_space<semaphore_mem>>, %arg14: memref<!tpu.dma_semaphore, #tpu.memory_space<semaphore_mem>>, %arg15: memref<!tpu.dma_semaphore, #tpu.memory_space<semaphore_mem>>) attributes {dimension_semantics = [#tpu.dimension_semantics<core_parallel>, #tpu.dimension_semantics<subcore_parallel>], iteration_bounds = array<i64: 2, 16>, scalar_prefetch = 0 : i64, scratch_operands = 9 : i64, tpu.core_type = #tpu.core_type<sc_vector_subcore>, window_params = [{transform_indices = #map}, {transform_indices = #map1}, {transform_indices = #map2}, {transform_indices = #map2}, {transform_indices = #map}]} {
    %eq3A = arith.constant 0 : i32
    %eq3A_0 = arith.cmpi eq, %arg1, %eq3A : i32
    %convert_element_type3A = arith.extui %eq3A_0 : i1 to i32
    %cond3A = arith.constant 0 : i32
    %cond3A_1 = arith.cmpi ne, %convert_element_type3A, %cond3A : i32
    scf.if %cond3A_1 {
      "tpu.region"() ({
        %run_scoped3A = tpu.sem_alloc : memref<!tpu.dma_semaphore, #tpu.memory_space<semaphore_mem>>
        tpu.enqueue_dma source(%arg5 : memref<5128x128xf32, #tpu.memory_space<hbm>>) target(%arg11 : memref<5128x128xf32, #tpu.memory_space<vmem_shared>>) target_semaphore(%run_scoped3A : memref<!tpu.dma_semaphore, #tpu.memory_space<semaphore_mem>>)
        tpu.wait_dma2 semaphore(%run_scoped3A : memref<!tpu.dma_semaphore, #tpu.memory_space<semaphore_mem>>) src(%arg5 : memref<5128x128xf32, #tpu.memory_space<hbm>>) dst(%arg11 : memref<5128x128xf32, #tpu.memory_space<vmem_shared>>)
        tpu.yield
      }) : () -> ()
    } else {
    }
    %barrier3A = arith.constant 0 : index
    tpu.barrier barrier_id(%barrier3A)
    "tpu.region"() ({
      %run_scoped3A = tpu.sem_alloc : memref<!tpu.dma_semaphore, #tpu.memory_space<semaphore_mem>>
      %dma_start3A_20 = arith.constant 0 : i32
      %dma_start3A_21 = arith.constant 0 : i32
      %dma_start3A_22 = tpu.memref_slice %arg2[%arg1, %dma_start3A_20, %dma_start3A_21] : memref<16x250x80xi32, #tpu.memory_space<hbm>> -> memref<1x250x80xi32, #tpu.memory_space<hbm>>
      %dma_start3A_23 = tpu.memref_squeeze %dma_start3A_22 : memref<1x250x80xi32, #tpu.memory_space<hbm>> -> memref<250x80xi32, #tpu.memory_space<hbm>>
      %dma_start3A_24 = arith.constant 0 : i32
      %dma_start3A_25 = arith.constant 0 : i32
      %dma_start3A_26 = tpu.memref_slice %arg2[%arg1, %dma_start3A_24, %dma_start3A_25] : memref<16x250x80xi32, #tpu.memory_space<hbm>> -> memref<1x250x80xi32, #tpu.memory_space<hbm>>
      %dma_start3A_27 = tpu.memref_squeeze %dma_start3A_26 : memref<1x250x80xi32, #tpu.memory_space<hbm>> -> memref<250x80xi32, #tpu.memory_space<hbm>>
      tpu.enqueue_dma source(%dma_start3A_27 : memref<250x80xi32, #tpu.memory_space<hbm>>) target(%arg7 : memref<250x80xi32, #tpu.memory_space<vmem>>) target_semaphore(%run_scoped3A : memref<!tpu.dma_semaphore, #tpu.memory_space<semaphore_mem>>)
      %dma_wait3A = arith.constant 0 : i32
      %dma_wait3A_28 = arith.constant 0 : i32
      %dma_wait3A_29 = tpu.memref_slice %arg2[%arg1, %dma_wait3A, %dma_wait3A_28] : memref<16x250x80xi32, #tpu.memory_space<hbm>> -> memref<1x250x80xi32, #tpu.memory_space<hbm>>
      %dma_wait3A_30 = tpu.memref_squeeze %dma_wait3A_29 : memref<1x250x80xi32, #tpu.memory_space<hbm>> -> memref<250x80xi32, #tpu.memory_space<hbm>>
      %dma_wait3A_31 = arith.constant 0 : i32
      %dma_wait3A_32 = arith.constant 0 : i32
      %dma_wait3A_33 = tpu.memref_slice %arg2[%arg1, %dma_wait3A_31, %dma_wait3A_32] : memref<16x250x80xi32, #tpu.memory_space<hbm>> -> memref<1x250x80xi32, #tpu.memory_space<hbm>>
      %dma_wait3A_34 = tpu.memref_squeeze %dma_wait3A_33 : memref<1x250x80xi32, #tpu.memory_space<hbm>> -> memref<250x80xi32, #tpu.memory_space<hbm>>
      tpu.wait_dma2 semaphore(%run_scoped3A : memref<!tpu.dma_semaphore, #tpu.memory_space<semaphore_mem>>) src(%dma_wait3A_34 : memref<250x80xi32, #tpu.memory_space<hbm>>) dst(%arg7 : memref<250x80xi32, #tpu.memory_space<vmem>>)
      tpu.yield
    }) : () -> ()
    "tpu.region"() ({
      %run_scoped3A = tpu.sem_alloc : memref<!tpu.dma_semaphore, #tpu.memory_space<semaphore_mem>>
      %dma_start3A_20 = arith.constant 0 : i32
      %dma_start3A_21 = arith.constant 0 : i32
      %dma_start3A_22 = tpu.memref_slice %arg3[%arg0, %arg1, %dma_start3A_20, %dma_start3A_21] : memref<2x16x250x80xi32, #tpu.memory_space<hbm>> -> memref<1x1x250x80xi32, #tpu.memory_space<hbm>>
      %dma_start3A_23 = tpu.memref_squeeze %dma_start3A_22 : memref<1x1x250x80xi32, #tpu.memory_space<hbm>> -> memref<250x80xi32, #tpu.memory_space<hbm>>
      %dma_start3A_24 = arith.constant 0 : i32
      %dma_start3A_25 = arith.constant 0 : i32
      %dma_start3A_26 = tpu.memref_slice %arg3[%arg0, %arg1, %dma_start3A_24, %dma_start3A_25] : memref<2x16x250x80xi32, #tpu.memory_space<hbm>> -> memref<1x1x250x80xi32, #tpu.memory_space<hbm>>
      %dma_start3A_27 = tpu.memref_squeeze %dma_start3A_26 : memref<1x1x250x80xi32, #tpu.memory_space<hbm>> -> memref<250x80xi32, #tpu.memory_space<hbm>>
      tpu.enqueue_dma source(%dma_start3A_27 : memref<250x80xi32, #tpu.memory_space<hbm>>) target(%arg8 : memref<250x80xi32, #tpu.memory_space<vmem>>) target_semaphore(%run_scoped3A : memref<!tpu.dma_semaphore, #tpu.memory_space<semaphore_mem>>)
      %dma_wait3A = arith.constant 0 : i32
      %dma_wait3A_28 = arith.constant 0 : i32
      %dma_wait3A_29 = tpu.memref_slice %arg3[%arg0, %arg1, %dma_wait3A, %dma_wait3A_28] : memref<2x16x250x80xi32, #tpu.memory_space<hbm>> -> memref<1x1x250x80xi32, #tpu.memory_space<hbm>>
      %dma_wait3A_30 = tpu.memref_squeeze %dma_wait3A_29 : memref<1x1x250x80xi32, #tpu.memory_space<hbm>> -> memref<250x80xi32, #tpu.memory_space<hbm>>
      %dma_wait3A_31 = arith.constant 0 : i32
      %dma_wait3A_32 = arith.constant 0 : i32
      %dma_wait3A_33 = tpu.memref_slice %arg3[%arg0, %arg1, %dma_wait3A_31, %dma_wait3A_32] : memref<2x16x250x80xi32, #tpu.memory_space<hbm>> -> memref<1x1x250x80xi32, #tpu.memory_space<hbm>>
      %dma_wait3A_34 = tpu.memref_squeeze %dma_wait3A_33 : memref<1x1x250x80xi32, #tpu.memory_space<hbm>> -> memref<250x80xi32, #tpu.memory_space<hbm>>
      tpu.wait_dma2 semaphore(%run_scoped3A : memref<!tpu.dma_semaphore, #tpu.memory_space<semaphore_mem>>) src(%dma_wait3A_34 : memref<250x80xi32, #tpu.memory_space<hbm>>) dst(%arg8 : memref<250x80xi32, #tpu.memory_space<vmem>>)
      tpu.yield
    }) : () -> ()
    %dma_start3A = arith.constant 0 : i32
    %dma_start3A_2 = arith.constant 0 : i32
    %dma_start3A_3 = tpu.memref_slice %arg7[%dma_start3A, %dma_start3A_2] : memref<250x80xi32, #tpu.memory_space<vmem>> -> memref<1x80xi32, #tpu.memory_space<vmem>>
    %dma_start3A_4 = tpu.memref_squeeze %dma_start3A_3 : memref<1x80xi32, #tpu.memory_space<vmem>> -> memref<80xi32, #tpu.memory_space<vmem>>
    %dma_start3A_5 = arith.constant 0 : i32
    %dma_start3A_6 = arith.constant 0 : i32
    %dma_start3A_7 = tpu.memref_slice %arg4[%dma_start3A_5, %dma_start3A_6] : memref<10000x128xf32, #tpu.memory_space<hbm>> -> memref<10000x128xf32, #tpu.memory_space<hbm>>
    tpu.enqueue_indirect_dma source(%dma_start3A_7 : memref<10000x128xf32, #tpu.memory_space<hbm>>) target(%arg9 : memref<80x128xf32, #tpu.memory_space<vmem>>) offsets(%dma_start3A_4 : memref<80xi32, #tpu.memory_space<vmem>>) semaphore(%arg12 : memref<!tpu.dma_semaphore, #tpu.memory_space<semaphore_mem>>)
    %scan3A = arith.constant 0 : i32
    %scan3A_8 = arith.constant 0 : i32
    %scan3A_9 = arith.constant 125 : i32
    %scan3A_10 = arith.addi %scan3A_8, %scan3A_9 : i32
    %scan3A_11 = arith.constant 1 : i32
    %scan3A_12 = scf.for %scan3A_20 = %scan3A_8 to %scan3A_10 step %scan3A_11 iter_args(%scan3A_21 = %scan3A) -> (i32)  : i32 {
      %mul3A = arith.constant 2 : i32
      %mul3A_22 = arith.muli %mul3A, %scan3A_20 : i32
      %mul3A_23 = arith.constant 2 : i32
      %mul3A_24 = arith.muli %mul3A_23, %scan3A_20 : i32
      %add3A = arith.constant 1 : i32
      %add3A_25 = arith.addi %mul3A_24, %add3A : i32
      %dma_start3A_26 = arith.constant 0 : i32
      %dma_start3A_27 = tpu.memref_slice %arg7[%add3A_25, %dma_start3A_26] : memref<250x80xi32, #tpu.memory_space<vmem>> -> memref<1x80xi32, #tpu.memory_space<vmem>>
      %dma_start3A_28 = tpu.memref_squeeze %dma_start3A_27 : memref<1x80xi32, #tpu.memory_space<vmem>> -> memref<80xi32, #tpu.memory_space<vmem>>
      %dma_start3A_29 = arith.constant 0 : i32
      %dma_start3A_30 = arith.constant 0 : i32
      %dma_start3A_31 = tpu.memref_slice %arg4[%dma_start3A_29, %dma_start3A_30] : memref<10000x128xf32, #tpu.memory_space<hbm>> -> memref<10000x128xf32, #tpu.memory_space<hbm>>
      tpu.enqueue_indirect_dma source(%dma_start3A_31 : memref<10000x128xf32, #tpu.memory_space<hbm>>) target(%arg10 : memref<80x128xf32, #tpu.memory_space<vmem>>) offsets(%dma_start3A_28 : memref<80xi32, #tpu.memory_space<vmem>>) semaphore(%arg13 : memref<!tpu.dma_semaphore, #tpu.memory_space<semaphore_mem>>)
      %dma_wait3A = arith.constant 0 : i32
      %dma_wait3A_32 = tpu.memref_slice %arg7[%mul3A_22, %dma_wait3A] : memref<250x80xi32, #tpu.memory_space<vmem>> -> memref<1x80xi32, #tpu.memory_space<vmem>>
      %dma_wait3A_33 = tpu.memref_squeeze %dma_wait3A_32 : memref<1x80xi32, #tpu.memory_space<vmem>> -> memref<80xi32, #tpu.memory_space<vmem>>
      %dma_wait3A_34 = arith.constant 0 : i32
      %dma_wait3A_35 = arith.constant 0 : i32
      %dma_wait3A_36 = tpu.memref_slice %arg4[%dma_wait3A_34, %dma_wait3A_35] : memref<10000x128xf32, #tpu.memory_space<hbm>> -> memref<10000x128xf32, #tpu.memory_space<hbm>>
      tpu.wait_indirect_dma semaphore(%arg12 : memref<!tpu.dma_semaphore, #tpu.memory_space<semaphore_mem>>) src(%dma_wait3A_36 : memref<10000x128xf32, #tpu.memory_space<hbm>>) dst(%arg9 : memref<80x128xf32, #tpu.memory_space<vmem>>)
      %get3A = arith.index_cast %mul3A_22 : i32 to index
      %get3A_37 = arith.constant 0 : index
      %get3A_38 = tpu.vector_load %arg8[%get3A, %get3A_37] {strides = array<i32>} : memref<250x80xi32, #tpu.memory_space<vmem>>, vector<1x16xi32>,
      %get3A_39 = vector.shape_cast %get3A_38 : vector<1x16xi32> to vector<16xi32>
      %dma_start3A_40 = arith.constant 0 : i32
      %dma_start3A_41 = arith.constant 0 : i32
      %dma_start3A_42 = tpu.memref_slice %arg9[%dma_start3A_40, %dma_start3A_41] : memref<80x128xf32, #tpu.memory_space<vmem>> -> memref<16x128xf32, #tpu.memory_space<vmem>>
      %dma_start3A_43 = arith.constant 0 : i32
      %dma_start3A_44 = arith.constant 0 : i32
      %dma_start3A_45 = tpu.memref_slice %arg11[%dma_start3A_43, %dma_start3A_44] : memref<5128x128xf32, #tpu.memory_space<vmem_shared>> -> memref<5128x128xf32, #tpu.memory_space<vmem_shared>>
      tpu.enqueue_indirect_dma source(%dma_start3A_42 : memref<16x128xf32, #tpu.memory_space<vmem>>) target(%dma_start3A_45 : memref<5128x128xf32, #tpu.memory_space<vmem_shared>>) offsets(%get3A_39 : vector<16xi32>) semaphore(%arg14 : memref<!tpu.dma_semaphore, #tpu.memory_space<semaphore_mem>>) {add = true}
      %get3A_46 = arith.index_cast %mul3A_22 : i32 to index
      %get3A_47 = arith.constant 16 : index
      %get3A_48 = tpu.vector_load %arg8[%get3A_46, %get3A_47] {strides = array<i32>} : memref<250x80xi32, #tpu.memory_space<vmem>>, vector<1x16xi32>,
      %get3A_49 = vector.shape_cast %get3A_48 : vector<1x16xi32> to vector<16xi32>
      %dma_start3A_50 = arith.constant 16 : i32
      %dma_start3A_51 = arith.constant 0 : i32
      %dma_start3A_52 = tpu.memref_slice %arg9[%dma_start3A_50, %dma_start3A_51] : memref<80x128xf32, #tpu.memory_space<vmem>> -> memref<16x128xf32, #tpu.memory_space<vmem>>
      %dma_start3A_53 = arith.constant 0 : i32
      %dma_start3A_54 = arith.constant 0 : i32
      %dma_start3A_55 = tpu.memref_slice %arg11[%dma_start3A_53, %dma_start3A_54] : memref<5128x128xf32, #tpu.memory_space<vmem_shared>> -> memref<5128x128xf32, #tpu.memory_space<vmem_shared>>
      tpu.enqueue_indirect_dma source(%dma_start3A_52 : memref<16x128xf32, #tpu.memory_space<vmem>>) target(%dma_start3A_55 : memref<5128x128xf32, #tpu.memory_space<vmem_shared>>) offsets(%get3A_49 : vector<16xi32>) semaphore(%arg14 : memref<!tpu.dma_semaphore, #tpu.memory_space<semaphore_mem>>) {add = true}
      %get3A_56 = arith.index_cast %mul3A_22 : i32 to index
      %get3A_57 = arith.constant 32 : index
      %get3A_58 = tpu.vector_load %arg8[%get3A_56, %get3A_57] {strides = array<i32>} : memref<250x80xi32, #tpu.memory_space<vmem>>, vector<1x16xi32>,
      %get3A_59 = vector.shape_cast %get3A_58 : vector<1x16xi32> to vector<16xi32>
      %dma_start3A_60 = arith.constant 32 : i32
      %dma_start3A_61 = arith.constant 0 : i32
      %dma_start3A_62 = tpu.memref_slice %arg9[%dma_start3A_60, %dma_start3A_61] : memref<80x128xf32, #tpu.memory_space<vmem>> -> memref<16x128xf32, #tpu.memory_space<vmem>>
      %dma_start3A_63 = arith.constant 0 : i32
      %dma_start3A_64 = arith.constant 0 : i32
      %dma_start3A_65 = tpu.memref_slice %arg11[%dma_start3A_63, %dma_start3A_64] : memref<5128x128xf32, #tpu.memory_space<vmem_shared>> -> memref<5128x128xf32, #tpu.memory_space<vmem_shared>>
      tpu.enqueue_indirect_dma source(%dma_start3A_62 : memref<16x128xf32, #tpu.memory_space<vmem>>) target(%dma_start3A_65 : memref<5128x128xf32, #tpu.memory_space<vmem_shared>>) offsets(%get3A_59 : vector<16xi32>) semaphore(%arg14 : memref<!tpu.dma_semaphore, #tpu.memory_space<semaphore_mem>>) {add = true}
      %get3A_66 = arith.index_cast %mul3A_22 : i32 to index
      %get3A_67 = arith.constant 48 : index
      %get3A_68 = tpu.vector_load %arg8[%get3A_66, %get3A_67] {strides = array<i32>} : memref<250x80xi32, #tpu.memory_space<vmem>>, vector<1x16xi32>,
      %get3A_69 = vector.shape_cast %get3A_68 : vector<1x16xi32> to vector<16xi32>
      %dma_start3A_70 = arith.constant 48 : i32
      %dma_start3A_71 = arith.constant 0 : i32
      %dma_start3A_72 = tpu.memref_slice %arg9[%dma_start3A_70, %dma_start3A_71] : memref<80x128xf32, #tpu.memory_space<vmem>> -> memref<16x128xf32, #tpu.memory_space<vmem>>
      %dma_start3A_73 = arith.constant 0 : i32
      %dma_start3A_74 = arith.constant 0 : i32
      %dma_start3A_75 = tpu.memref_slice %arg11[%dma_start3A_73, %dma_start3A_74] : memref<5128x128xf32, #tpu.memory_space<vmem_shared>> -> memref<5128x128xf32, #tpu.memory_space<vmem_shared>>
      tpu.enqueue_indirect_dma source(%dma_start3A_72 : memref<16x128xf32, #tpu.memory_space<vmem>>) target(%dma_start3A_75 : memref<5128x128xf32, #tpu.memory_space<vmem_shared>>) offsets(%get3A_69 : vector<16xi32>) semaphore(%arg14 : memref<!tpu.dma_semaphore, #tpu.memory_space<semaphore_mem>>) {add = true}
      %get3A_76 = arith.index_cast %mul3A_22 : i32 to index
      %get3A_77 = arith.constant 64 : index
      %get3A_78 = tpu.vector_load %arg8[%get3A_76, %get3A_77] {strides = array<i32>} : memref<250x80xi32, #tpu.memory_space<vmem>>, vector<1x16xi32>,
      %get3A_79 = vector.shape_cast %get3A_78 : vector<1x16xi32> to vector<16xi32>
      %dma_start3A_80 = arith.constant 64 : i32
      %dma_start3A_81 = arith.constant 0 : i32
      %dma_start3A_82 = tpu.memref_slice %arg9[%dma_start3A_80, %dma_start3A_81] : memref<80x128xf32, #tpu.memory_space<vmem>> -> memref<16x128xf32, #tpu.memory_space<vmem>>
      %dma_start3A_83 = arith.constant 0 : i32
      %dma_start3A_84 = arith.constant 0 : i32
      %dma_start3A_85 = tpu.memref_slice %arg11[%dma_start3A_83, %dma_start3A_84] : memref<5128x128xf32, #tpu.memory_space<vmem_shared>> -> memref<5128x128xf32, #tpu.memory_space<vmem_shared>>
      tpu.enqueue_indirect_dma source(%dma_start3A_82 : memref<16x128xf32, #tpu.memory_space<vmem>>) target(%dma_start3A_85 : memref<5128x128xf32, #tpu.memory_space<vmem_shared>>) offsets(%get3A_79 : vector<16xi32>) semaphore(%arg14 : memref<!tpu.dma_semaphore, #tpu.memory_space<semaphore_mem>>) {add = true}
      %dma_wait3A_86 = arith.constant 0 : i32
      %dma_wait3A_87 = arith.constant 0 : i32
      %dma_wait3A_88 = tpu.memref_slice %arg9[%dma_wait3A_86, %dma_wait3A_87] : memref<80x128xf32, #tpu.memory_space<vmem>> -> memref<16x128xf32, #tpu.memory_space<vmem>>
      %dma_wait3A_89 = arith.constant 0 : i32
      %dma_wait3A_90 = arith.constant 0 : i32
      %dma_wait3A_91 = tpu.memref_slice %arg11[%dma_wait3A_89, %dma_wait3A_90] : memref<5128x128xf32, #tpu.memory_space<vmem_shared>> -> memref<5128x128xf32, #tpu.memory_space<vmem_shared>>
      tpu.wait_indirect_dma semaphore(%arg14 : memref<!tpu.dma_semaphore, #tpu.memory_space<semaphore_mem>>) src(%dma_wait3A_88 : memref<16x128xf32, #tpu.memory_space<vmem>>) dst(%dma_wait3A_91 : memref<5128x128xf32, #tpu.memory_space<vmem_shared>>)
      %dma_wait3A_92 = arith.constant 16 : i32
      %dma_wait3A_93 = arith.constant 0 : i32
      %dma_wait3A_94 = tpu.memref_slice %arg9[%dma_wait3A_92, %dma_wait3A_93] : memref<80x128xf32, #tpu.memory_space<vmem>> -> memref<16x128xf32, #tpu.memory_space<vmem>>
      %dma_wait3A_95 = arith.constant 0 : i32
      %dma_wait3A_96 = arith.constant 0 : i32
      %dma_wait3A_97 = tpu.memref_slice %arg11[%dma_wait3A_95, %dma_wait3A_96] : memref<5128x128xf32, #tpu.memory_space<vmem_shared>> -> memref<5128x128xf32, #tpu.memory_space<vmem_shared>>
      tpu.wait_indirect_dma semaphore(%arg14 : memref<!tpu.dma_semaphore, #tpu.memory_space<semaphore_mem>>) src(%dma_wait3A_94 : memref<16x128xf32, #tpu.memory_space<vmem>>) dst(%dma_wait3A_97 : memref<5128x128xf32, #tpu.memory_space<vmem_shared>>)
      %dma_wait3A_98 = arith.constant 32 : i32
      %dma_wait3A_99 = arith.constant 0 : i32
      %dma_wait3A_100 = tpu.memref_slice %arg9[%dma_wait3A_98, %dma_wait3A_99] : memref<80x128xf32, #tpu.memory_space<vmem>> -> memref<16x128xf32, #tpu.memory_space<vmem>>
      %dma_wait3A_101 = arith.constant 0 : i32
      %dma_wait3A_102 = arith.constant 0 : i32
      %dma_wait3A_103 = tpu.memref_slice %arg11[%dma_wait3A_101, %dma_wait3A_102] : memref<5128x128xf32, #tpu.memory_space<vmem_shared>> -> memref<5128x128xf32, #tpu.memory_space<vmem_shared>>
      tpu.wait_indirect_dma semaphore(%arg14 : memref<!tpu.dma_semaphore, #tpu.memory_space<semaphore_mem>>) src(%dma_wait3A_100 : memref<16x128xf32, #tpu.memory_space<vmem>>) dst(%dma_wait3A_103 : memref<5128x128xf32, #tpu.memory_space<vmem_shared>>)
      %dma_wait3A_104 = arith.constant 48 : i32
      %dma_wait3A_105 = arith.constant 0 : i32
      %dma_wait3A_106 = tpu.memref_slice %arg9[%dma_wait3A_104, %dma_wait3A_105] : memref<80x128xf32, #tpu.memory_space<vmem>> -> memref<16x128xf32, #tpu.memory_space<vmem>>
      %dma_wait3A_107 = arith.constant 0 : i32
      %dma_wait3A_108 = arith.constant 0 : i32
      %dma_wait3A_109 = tpu.memref_slice %arg11[%dma_wait3A_107, %dma_wait3A_108] : memref<5128x128xf32, #tpu.memory_space<vmem_shared>> -> memref<5128x128xf32, #tpu.memory_space<vmem_shared>>
      tpu.wait_indirect_dma semaphore(%arg14 : memref<!tpu.dma_semaphore, #tpu.memory_space<semaphore_mem>>) src(%dma_wait3A_106 : memref<16x128xf32, #tpu.memory_space<vmem>>) dst(%dma_wait3A_109 : memref<5128x128xf32, #tpu.memory_space<vmem_shared>>)
      %dma_wait3A_110 = arith.constant 64 : i32
      %dma_wait3A_111 = arith.constant 0 : i32
      %dma_wait3A_112 = tpu.memref_slice %arg9[%dma_wait3A_110, %dma_wait3A_111] : memref<80x128xf32, #tpu.memory_space<vmem>> -> memref<16x128xf32, #tpu.memory_space<vmem>>
      %dma_wait3A_113 = arith.constant 0 : i32
      %dma_wait3A_114 = arith.constant 0 : i32
      %dma_wait3A_115 = tpu.memref_slice %arg11[%dma_wait3A_113, %dma_wait3A_114] : memref<5128x128xf32, #tpu.memory_space<vmem_shared>> -> memref<5128x128xf32, #tpu.memory_space<vmem_shared>>
      tpu.wait_indirect_dma semaphore(%arg14 : memref<!tpu.dma_semaphore, #tpu.memory_space<semaphore_mem>>) src(%dma_wait3A_112 : memref<16x128xf32, #tpu.memory_space<vmem>>) dst(%dma_wait3A_115 : memref<5128x128xf32, #tpu.memory_space<vmem_shared>>)
      %add3A_116 = arith.constant 2 : i32
      %add3A_117 = arith.addi %mul3A_22, %add3A_116 : i32
      %lt3A = arith.constant 250 : i32
      %lt3A_118 = arith.cmpi slt, %add3A_117, %lt3A : i32
      %convert_element_type3A_119 = arith.extui %lt3A_118 : i1 to i32
      %cond3A_120 = arith.constant 0 : i32
      %cond3A_121 = arith.cmpi ne, %convert_element_type3A_119, %cond3A_120 : i32
      scf.if %cond3A_121 {
        %add3A_209 = arith.constant 2 : i32
        %add3A_210 = arith.addi %mul3A_22, %add3A_209 : i32
        %dma_start3A_211 = arith.constant 0 : i32
        %dma_start3A_212 = tpu.memref_slice %arg7[%add3A_210, %dma_start3A_211] : memref<250x80xi32, #tpu.memory_space<vmem>> -> memref<1x80xi32, #tpu.memory_space<vmem>>
        %dma_start3A_213 = tpu.memref_squeeze %dma_start3A_212 : memref<1x80xi32, #tpu.memory_space<vmem>> -> memref<80xi32, #tpu.memory_space<vmem>>
        %dma_start3A_214 = arith.constant 0 : i32
        %dma_start3A_215 = arith.constant 0 : i32
        %dma_start3A_216 = tpu.memref_slice %arg4[%dma_start3A_214, %dma_start3A_215] : memref<10000x128xf32, #tpu.memory_space<hbm>> -> memref<10000x128xf32, #tpu.memory_space<hbm>>
        tpu.enqueue_indirect_dma source(%dma_start3A_216 : memref<10000x128xf32, #tpu.memory_space<hbm>>) target(%arg9 : memref<80x128xf32, #tpu.memory_space<vmem>>) offsets(%dma_start3A_213 : memref<80xi32, #tpu.memory_space<vmem>>) semaphore(%arg12 : memref<!tpu.dma_semaphore, #tpu.memory_space<semaphore_mem>>)
      } else {
      }
      %dma_wait3A_122 = arith.constant 0 : i32
      %dma_wait3A_123 = tpu.memref_slice %arg7[%add3A_25, %dma_wait3A_122] : memref<250x80xi32, #tpu.memory_space<vmem>> -> memref<1x80xi32, #tpu.memory_space<vmem>>
      %dma_wait3A_124 = tpu.memref_squeeze %dma_wait3A_123 : memref<1x80xi32, #tpu.memory_space<vmem>> -> memref<80xi32, #tpu.memory_space<vmem>>
      %dma_wait3A_125 = arith.constant 0 : i32
      %dma_wait3A_126 = arith.constant 0 : i32
      %dma_wait3A_127 = tpu.memref_slice %arg4[%dma_wait3A_125, %dma_wait3A_126] : memref<10000x128xf32, #tpu.memory_space<hbm>> -> memref<10000x128xf32, #tpu.memory_space<hbm>>
      tpu.wait_indirect_dma semaphore(%arg13 : memref<!tpu.dma_semaphore, #tpu.memory_space<semaphore_mem>>) src(%dma_wait3A_127 : memref<10000x128xf32, #tpu.memory_space<hbm>>) dst(%arg10 : memref<80x128xf32, #tpu.memory_space<vmem>>)
      %get3A_128 = arith.index_cast %add3A_25 : i32 to index
      %get3A_129 = arith.constant 0 : index
      %get3A_130 = tpu.vector_load %arg8[%get3A_128, %get3A_129] {strides = array<i32>} : memref<250x80xi32, #tpu.memory_space<vmem>>, vector<1x16xi32>,
      %get3A_131 = vector.shape_cast %get3A_130 : vector<1x16xi32> to vector<16xi32>
      %dma_start3A_132 = arith.constant 0 : i32
      %dma_start3A_133 = arith.constant 0 : i32
      %dma_start3A_134 = tpu.memref_slice %arg10[%dma_start3A_132, %dma_start3A_133] : memref<80x128xf32, #tpu.memory_space<vmem>> -> memref<16x128xf32, #tpu.memory_space<vmem>>
      %dma_start3A_135 = arith.constant 0 : i32
      %dma_start3A_136 = arith.constant 0 : i32
      %dma_start3A_137 = tpu.memref_slice %arg11[%dma_start3A_135, %dma_start3A_136] : memref<5128x128xf32, #tpu.memory_space<vmem_shared>> -> memref<5128x128xf32, #tpu.memory_space<vmem_shared>>
      tpu.enqueue_indirect_dma source(%dma_start3A_134 : memref<16x128xf32, #tpu.memory_space<vmem>>) target(%dma_start3A_137 : memref<5128x128xf32, #tpu.memory_space<vmem_shared>>) offsets(%get3A_131 : vector<16xi32>) semaphore(%arg15 : memref<!tpu.dma_semaphore, #tpu.memory_space<semaphore_mem>>) {add = true}
      %get3A_138 = arith.index_cast %add3A_25 : i32 to index
      %get3A_139 = arith.constant 16 : index
      %get3A_140 = tpu.vector_load %arg8[%get3A_138, %get3A_139] {strides = array<i32>} : memref<250x80xi32, #tpu.memory_space<vmem>>, vector<1x16xi32>,
      %get3A_141 = vector.shape_cast %get3A_140 : vector<1x16xi32> to vector<16xi32>
      %dma_start3A_142 = arith.constant 16 : i32
      %dma_start3A_143 = arith.constant 0 : i32
      %dma_start3A_144 = tpu.memref_slice %arg10[%dma_start3A_142, %dma_start3A_143] : memref<80x128xf32, #tpu.memory_space<vmem>> -> memref<16x128xf32, #tpu.memory_space<vmem>>
      %dma_start3A_145 = arith.constant 0 : i32
      %dma_start3A_146 = arith.constant 0 : i32
      %dma_start3A_147 = tpu.memref_slice %arg11[%dma_start3A_145, %dma_start3A_146] : memref<5128x128xf32, #tpu.memory_space<vmem_shared>> -> memref<5128x128xf32, #tpu.memory_space<vmem_shared>>
      tpu.enqueue_indirect_dma source(%dma_start3A_144 : memref<16x128xf32, #tpu.memory_space<vmem>>) target(%dma_start3A_147 : memref<5128x128xf32, #tpu.memory_space<vmem_shared>>) offsets(%get3A_141 : vector<16xi32>) semaphore(%arg15 : memref<!tpu.dma_semaphore, #tpu.memory_space<semaphore_mem>>) {add = true}
      %get3A_148 = arith.index_cast %add3A_25 : i32 to index
      %get3A_149 = arith.constant 32 : index
      %get3A_150 = tpu.vector_load %arg8[%get3A_148, %get3A_149] {strides = array<i32>} : memref<250x80xi32, #tpu.memory_space<vmem>>, vector<1x16xi32>,
      %get3A_151 = vector.shape_cast %get3A_150 : vector<1x16xi32> to vector<16xi32>
      %dma_start3A_152 = arith.constant 32 : i32
      %dma_start3A_153 = arith.constant 0 : i32
      %dma_start3A_154 = tpu.memref_slice %arg10[%dma_start3A_152, %dma_start3A_153] : memref<80x128xf32, #tpu.memory_space<vmem>> -> memref<16x128xf32, #tpu.memory_space<vmem>>
      %dma_start3A_155 = arith.constant 0 : i32
      %dma_start3A_156 = arith.constant 0 : i32
      %dma_start3A_157 = tpu.memref_slice %arg11[%dma_start3A_155, %dma_start3A_156] : memref<5128x128xf32, #tpu.memory_space<vmem_shared>> -> memref<5128x128xf32, #tpu.memory_space<vmem_shared>>
      tpu.enqueue_indirect_dma source(%dma_start3A_154 : memref<16x128xf32, #tpu.memory_space<vmem>>) target(%dma_start3A_157 : memref<5128x128xf32, #tpu.memory_space<vmem_shared>>) offsets(%get3A_151 : vector<16xi32>) semaphore(%arg15 : memref<!tpu.dma_semaphore, #tpu.memory_space<semaphore_mem>>) {add = true}
      %get3A_158 = arith.index_cast %add3A_25 : i32 to index
      %get3A_159 = arith.constant 48 : index
      %get3A_160 = tpu.vector_load %arg8[%get3A_158, %get3A_159] {strides = array<i32>} : memref<250x80xi32, #tpu.memory_space<vmem>>, vector<1x16xi32>,
      %get3A_161 = vector.shape_cast %get3A_160 : vector<1x16xi32> to vector<16xi32>
      %dma_start3A_162 = arith.constant 48 : i32
      %dma_start3A_163 = arith.constant 0 : i32
      %dma_start3A_164 = tpu.memref_slice %arg10[%dma_start3A_162, %dma_start3A_163] : memref<80x128xf32, #tpu.memory_space<vmem>> -> memref<16x128xf32, #tpu.memory_space<vmem>>
      %dma_start3A_165 = arith.constant 0 : i32
      %dma_start3A_166 = arith.constant 0 : i32
      %dma_start3A_167 = tpu.memref_slice %arg11[%dma_start3A_165, %dma_start3A_166] : memref<5128x128xf32, #tpu.memory_space<vmem_shared>> -> memref<5128x128xf32, #tpu.memory_space<vmem_shared>>
      tpu.enqueue_indirect_dma source(%dma_start3A_164 : memref<16x128xf32, #tpu.memory_space<vmem>>) target(%dma_start3A_167 : memref<5128x128xf32, #tpu.memory_space<vmem_shared>>) offsets(%get3A_161 : vector<16xi32>) semaphore(%arg15 : memref<!tpu.dma_semaphore, #tpu.memory_space<semaphore_mem>>) {add = true}
      %get3A_168 = arith.index_cast %add3A_25 : i32 to index
      %get3A_169 = arith.constant 64 : index
      %get3A_170 = tpu.vector_load %arg8[%get3A_168, %get3A_169] {strides = array<i32>} : memref<250x80xi32, #tpu.memory_space<vmem>>, vector<1x16xi32>,
      %get3A_171 = vector.shape_cast %get3A_170 : vector<1x16xi32> to vector<16xi32>
      %dma_start3A_172 = arith.constant 64 : i32
      %dma_start3A_173 = arith.constant 0 : i32
      %dma_start3A_174 = tpu.memref_slice %arg10[%dma_start3A_172, %dma_start3A_173] : memref<80x128xf32, #tpu.memory_space<vmem>> -> memref<16x128xf32, #tpu.memory_space<vmem>>
      %dma_start3A_175 = arith.constant 0 : i32
      %dma_start3A_176 = arith.constant 0 : i32
      %dma_start3A_177 = tpu.memref_slice %arg11[%dma_start3A_175, %dma_start3A_176] : memref<5128x128xf32, #tpu.memory_space<vmem_shared>> -> memref<5128x128xf32, #tpu.memory_space<vmem_shared>>
      tpu.enqueue_indirect_dma source(%dma_start3A_174 : memref<16x128xf32, #tpu.memory_space<vmem>>) target(%dma_start3A_177 : memref<5128x128xf32, #tpu.memory_space<vmem_shared>>) offsets(%get3A_171 : vector<16xi32>) semaphore(%arg15 : memref<!tpu.dma_semaphore, #tpu.memory_space<semaphore_mem>>) {add = true}
      %dma_wait3A_178 = arith.constant 0 : i32
      %dma_wait3A_179 = arith.constant 0 : i32
      %dma_wait3A_180 = tpu.memref_slice %arg10[%dma_wait3A_178, %dma_wait3A_179] : memref<80x128xf32, #tpu.memory_space<vmem>> -> memref<16x128xf32, #tpu.memory_space<vmem>>
      %dma_wait3A_181 = arith.constant 0 : i32
      %dma_wait3A_182 = arith.constant 0 : i32
      %dma_wait3A_183 = tpu.memref_slice %arg11[%dma_wait3A_181, %dma_wait3A_182] : memref<5128x128xf32, #tpu.memory_space<vmem_shared>> -> memref<5128x128xf32, #tpu.memory_space<vmem_shared>>
      tpu.wait_indirect_dma semaphore(%arg15 : memref<!tpu.dma_semaphore, #tpu.memory_space<semaphore_mem>>) src(%dma_wait3A_180 : memref<16x128xf32, #tpu.memory_space<vmem>>) dst(%dma_wait3A_183 : memref<5128x128xf32, #tpu.memory_space<vmem_shared>>)
      %dma_wait3A_184 = arith.constant 16 : i32
      %dma_wait3A_185 = arith.constant 0 : i32
      %dma_wait3A_186 = tpu.memref_slice %arg10[%dma_wait3A_184, %dma_wait3A_185] : memref<80x128xf32, #tpu.memory_space<vmem>> -> memref<16x128xf32, #tpu.memory_space<vmem>>
      %dma_wait3A_187 = arith.constant 0 : i32
      %dma_wait3A_188 = arith.constant 0 : i32
      %dma_wait3A_189 = tpu.memref_slice %arg11[%dma_wait3A_187, %dma_wait3A_188] : memref<5128x128xf32, #tpu.memory_space<vmem_shared>> -> memref<5128x128xf32, #tpu.memory_space<vmem_shared>>
      tpu.wait_indirect_dma semaphore(%arg15 : memref<!tpu.dma_semaphore, #tpu.memory_space<semaphore_mem>>) src(%dma_wait3A_186 : memref<16x128xf32, #tpu.memory_space<vmem>>) dst(%dma_wait3A_189 : memref<5128x128xf32, #tpu.memory_space<vmem_shared>>)
      %dma_wait3A_190 = arith.constant 32 : i32
      %dma_wait3A_191 = arith.constant 0 : i32
      %dma_wait3A_192 = tpu.memref_slice %arg10[%dma_wait3A_190, %dma_wait3A_191] : memref<80x128xf32, #tpu.memory_space<vmem>> -> memref<16x128xf32, #tpu.memory_space<vmem>>
      %dma_wait3A_193 = arith.constant 0 : i32
      %dma_wait3A_194 = arith.constant 0 : i32
      %dma_wait3A_195 = tpu.memref_slice %arg11[%dma_wait3A_193, %dma_wait3A_194] : memref<5128x128xf32, #tpu.memory_space<vmem_shared>> -> memref<5128x128xf32, #tpu.memory_space<vmem_shared>>
      tpu.wait_indirect_dma semaphore(%arg15 : memref<!tpu.dma_semaphore, #tpu.memory_space<semaphore_mem>>) src(%dma_wait3A_192 : memref<16x128xf32, #tpu.memory_space<vmem>>) dst(%dma_wait3A_195 : memref<5128x128xf32, #tpu.memory_space<vmem_shared>>)
      %dma_wait3A_196 = arith.constant 48 : i32
      %dma_wait3A_197 = arith.constant 0 : i32
      %dma_wait3A_198 = tpu.memref_slice %arg10[%dma_wait3A_196, %dma_wait3A_197] : memref<80x128xf32, #tpu.memory_space<vmem>> -> memref<16x128xf32, #tpu.memory_space<vmem>>
      %dma_wait3A_199 = arith.constant 0 : i32
      %dma_wait3A_200 = arith.constant 0 : i32
      %dma_wait3A_201 = tpu.memref_slice %arg11[%dma_wait3A_199, %dma_wait3A_200] : memref<5128x128xf32, #tpu.memory_space<vmem_shared>> -> memref<5128x128xf32, #tpu.memory_space<vmem_shared>>
      tpu.wait_indirect_dma semaphore(%arg15 : memref<!tpu.dma_semaphore, #tpu.memory_space<semaphore_mem>>) src(%dma_wait3A_198 : memref<16x128xf32, #tpu.memory_space<vmem>>) dst(%dma_wait3A_201 : memref<5128x128xf32, #tpu.memory_space<vmem_shared>>)
      %dma_wait3A_202 = arith.constant 64 : i32
      %dma_wait3A_203 = arith.constant 0 : i32
      %dma_wait3A_204 = tpu.memref_slice %arg10[%dma_wait3A_202, %dma_wait3A_203] : memref<80x128xf32, #tpu.memory_space<vmem>> -> memref<16x128xf32, #tpu.memory_space<vmem>>
      %dma_wait3A_205 = arith.constant 0 : i32
      %dma_wait3A_206 = arith.constant 0 : i32
      %dma_wait3A_207 = tpu.memref_slice %arg11[%dma_wait3A_205, %dma_wait3A_206] : memref<5128x128xf32, #tpu.memory_space<vmem_shared>> -> memref<5128x128xf32, #tpu.memory_space<vmem_shared>>
      tpu.wait_indirect_dma semaphore(%arg15 : memref<!tpu.dma_semaphore, #tpu.memory_space<semaphore_mem>>) src(%dma_wait3A_204 : memref<16x128xf32, #tpu.memory_space<vmem>>) dst(%dma_wait3A_207 : memref<5128x128xf32, #tpu.memory_space<vmem_shared>>)
      %scan3A_208 = arith.constant 0 : i32
      scf.yield %scan3A_208 : i32
    }
    %scan3A_13 = arith.constant 125 : i32
    %barrier3A_14 = arith.constant 0 : index
    tpu.barrier barrier_id(%barrier3A_14)
    %eq3A_15 = arith.constant 0 : i32
    %eq3A_16 = arith.cmpi eq, %arg1, %eq3A_15 : i32
    %convert_element_type3A_17 = arith.extui %eq3A_16 : i1 to i32
    %cond3A_18 = arith.constant 0 : i32
    %cond3A_19 = arith.cmpi ne, %convert_element_type3A_17, %cond3A_18 : i32
    scf.if %cond3A_19 {
      "tpu.region"() ({
        %run_scoped3A = tpu.sem_alloc : memref<!tpu.dma_semaphore, #tpu.memory_space<semaphore_mem>>
        %dma_start3A_20 = arith.constant 0 : i32
        %dma_start3A_21 = arith.constant 0 : i32
        %dma_start3A_22 = tpu.memref_slice %arg6[%arg0, %dma_start3A_20, %dma_start3A_21] : memref<2x5128x128xf32, #tpu.memory_space<hbm>> -> memref<1x5128x128xf32, #tpu.memory_space<hbm>>
        %dma_start3A_23 = tpu.memref_squeeze %dma_start3A_22 : memref<1x5128x128xf32, #tpu.memory_space<hbm>> -> memref<5128x128xf32, #tpu.memory_space<hbm>>
        tpu.enqueue_dma source(%arg11 : memref<5128x128xf32, #tpu.memory_space<vmem_shared>>) target(%dma_start3A_23 : memref<5128x128xf32, #tpu.memory_space<hbm>>) target_semaphore(%run_scoped3A : memref<!tpu.dma_semaphore, #tpu.memory_space<semaphore_mem>>)
        %dma_wait3A = arith.constant 0 : i32
        %dma_wait3A_24 = arith.constant 0 : i32
        %dma_wait3A_25 = tpu.memref_slice %arg6[%arg0, %dma_wait3A, %dma_wait3A_24] : memref<2x5128x128xf32, #tpu.memory_space<hbm>> -> memref<1x5128x128xf32, #tpu.memory_space<hbm>>
        %dma_wait3A_26 = tpu.memref_squeeze %dma_wait3A_25 : memref<1x5128x128xf32, #tpu.memory_space<hbm>> -> memref<5128x128xf32, #tpu.memory_space<hbm>>
        tpu.wait_dma2 semaphore(%run_scoped3A : memref<!tpu.dma_semaphore, #tpu.memory_space<semaphore_mem>>) src(%arg11 : memref<5128x128xf32, #tpu.memory_space<vmem_shared>>) dst(%dma_wait3A_26 : memref<5128x128xf32, #tpu.memory_space<hbm>>)
        tpu.yield
      }) : () -> ()
    } else {
    }
    return
  }
}

#map = affine_map<(d0, d1) -> (0, 0, 0)>
#map1 = affine_map<(d0, d1) -> (0, 0, 0, 0)>
#map2 = affine_map<(d0, d1) -> (0, 0)>
module attributes {stable_mosaic.version = 14 : i64} {
  func.func @_agg_kernel(%arg0: i32, %arg1: i32, %arg2: memref<16x250x80xi32, #tpu.memory_space<hbm>>, %arg3: memref<2x16x250x80xi32, #tpu.memory_space<hbm>>, %arg4: memref<10000x128xf32, #tpu.memory_space<hbm>>, %arg5: memref<5128x128xf32, #tpu.memory_space<hbm>>, %arg6: memref<2x5128x128xf32, #tpu.memory_space<hbm>>, %arg7: memref<250x80xi32, #tpu.memory_space<vmem>>, %arg8: memref<250x80xi32, #tpu.memory_space<vmem>>, %arg9: memref<80x128xf32, #tpu.memory_space<vmem>>, %arg10: memref<80x128xf32, #tpu.memory_space<vmem>>, %arg11: memref<5128x128xf32, #tpu.memory_space<vmem_shared>>, %arg12: memref<!tpu.dma_semaphore, #tpu.memory_space<semaphore_mem>>, %arg13: memref<!tpu.dma_semaphore, #tpu.memory_space<semaphore_mem>>, %arg14: memref<!tpu.dma_semaphore, #tpu.memory_space<semaphore_mem>>, %arg15: memref<!tpu.dma_semaphore, #tpu.memory_space<semaphore_mem>>) attributes {dimension_semantics = [#tpu.dimension_semantics<core_parallel>, #tpu.dimension_semantics<subcore_parallel>], iteration_bounds = array<i64: 2, 16>, scalar_prefetch = 0 : i64, scratch_operands = 9 : i64, tpu.core_type = #tpu.core_type<sc_vector_subcore>, window_params = [{transform_indices = #map}, {transform_indices = #map1}, {transform_indices = #map2}, {transform_indices = #map2}, {transform_indices = #map}]} {
    %eq3A = arith.constant 0 : i32
    %eq3A_0 = arith.cmpi eq, %arg1, %eq3A : i32
    %convert_element_type3A = arith.extui %eq3A_0 : i1 to i32
    %cond3A = arith.constant 0 : i32
    %cond3A_1 = arith.cmpi ne, %convert_element_type3A, %cond3A : i32
    scf.if %cond3A_1 {
      "tpu.region"() ({
        %run_scoped3A = tpu.sem_alloc : memref<!tpu.dma_semaphore, #tpu.memory_space<semaphore_mem>>
        tpu.enqueue_dma source(%arg5 : memref<5128x128xf32, #tpu.memory_space<hbm>>) target(%arg11 : memref<5128x128xf32, #tpu.memory_space<vmem_shared>>) target_semaphore(%run_scoped3A : memref<!tpu.dma_semaphore, #tpu.memory_space<semaphore_mem>>)
        tpu.wait_dma2 semaphore(%run_scoped3A : memref<!tpu.dma_semaphore, #tpu.memory_space<semaphore_mem>>) src(%arg5 : memref<5128x128xf32, #tpu.memory_space<hbm>>) dst(%arg11 : memref<5128x128xf32, #tpu.memory_space<vmem_shared>>)
        tpu.yield
      }) : () -> ()
    } else {
    }
    %barrier3A = arith.constant 0 : index
    tpu.barrier barrier_id(%barrier3A)
    "tpu.region"() ({
      %run_scoped3A = tpu.sem_alloc : memref<!tpu.dma_semaphore, #tpu.memory_space<semaphore_mem>>
      %dma_start3A_20 = arith.constant 0 : i32
      %dma_start3A_21 = arith.constant 0 : i32
      %dma_start3A_22 = tpu.memref_slice %arg2[%arg1, %dma_start3A_20, %dma_start3A_21] : memref<16x250x80xi32, #tpu.memory_space<hbm>> -> memref<1x250x80xi32, #tpu.memory_space<hbm>>
      %dma_start3A_23 = tpu.memref_squeeze %dma_start3A_22 : memref<1x250x80xi32, #tpu.memory_space<hbm>> -> memref<250x80xi32, #tpu.memory_space<hbm>>
      %dma_start3A_24 = arith.constant 0 : i32
      %dma_start3A_25 = arith.constant 0 : i32
      %dma_start3A_26 = tpu.memref_slice %arg2[%arg1, %dma_start3A_24, %dma_start3A_25] : memref<16x250x80xi32, #tpu.memory_space<hbm>> -> memref<1x250x80xi32, #tpu.memory_space<hbm>>
      %dma_start3A_27 = tpu.memref_squeeze %dma_start3A_26 : memref<1x250x80xi32, #tpu.memory_space<hbm>> -> memref<250x80xi32, #tpu.memory_space<hbm>>
      tpu.enqueue_dma source(%dma_start3A_27 : memref<250x80xi32, #tpu.memory_space<hbm>>) target(%arg7 : memref<250x80xi32, #tpu.memory_space<vmem>>) target_semaphore(%run_scoped3A : memref<!tpu.dma_semaphore, #tpu.memory_space<semaphore_mem>>)
      %dma_wait3A = arith.constant 0 : i32
      %dma_wait3A_28 = arith.constant 0 : i32
      %dma_wait3A_29 = tpu.memref_slice %arg2[%arg1, %dma_wait3A, %dma_wait3A_28] : memref<16x250x80xi32, #tpu.memory_space<hbm>> -> memref<1x250x80xi32, #tpu.memory_space<hbm>>
      %dma_wait3A_30 = tpu.memref_squeeze %dma_wait3A_29 : memref<1x250x80xi32, #tpu.memory_space<hbm>> -> memref<250x80xi32, #tpu.memory_space<hbm>>
      %dma_wait3A_31 = arith.constant 0 : i32
      %dma_wait3A_32 = arith.constant 0 : i32
      %dma_wait3A_33 = tpu.memref_slice %arg2[%arg1, %dma_wait3A_31, %dma_wait3A_32] : memref<16x250x80xi32, #tpu.memory_space<hbm>> -> memref<1x250x80xi32, #tpu.memory_space<hbm>>
      %dma_wait3A_34 = tpu.memref_squeeze %dma_wait3A_33 : memref<1x250x80xi32, #tpu.memory_space<hbm>> -> memref<250x80xi32, #tpu.memory_space<hbm>>
      tpu.wait_dma2 semaphore(%run_scoped3A : memref<!tpu.dma_semaphore, #tpu.memory_space<semaphore_mem>>) src(%dma_wait3A_34 : memref<250x80xi32, #tpu.memory_space<hbm>>) dst(%arg7 : memref<250x80xi32, #tpu.memory_space<vmem>>)
      tpu.yield
    }) : () -> ()
    "tpu.region"() ({
      %run_scoped3A = tpu.sem_alloc : memref<!tpu.dma_semaphore, #tpu.memory_space<semaphore_mem>>
      %dma_start3A_20 = arith.constant 0 : i32
      %dma_start3A_21 = arith.constant 0 : i32
      %dma_start3A_22 = tpu.memref_slice %arg3[%arg0, %arg1, %dma_start3A_20, %dma_start3A_21] : memref<2x16x250x80xi32, #tpu.memory_space<hbm>> -> memref<1x1x250x80xi32, #tpu.memory_space<hbm>>
      %dma_start3A_23 = tpu.memref_squeeze %dma_start3A_22 : memref<1x1x250x80xi32, #tpu.memory_space<hbm>> -> memref<250x80xi32, #tpu.memory_space<hbm>>
      %dma_start3A_24 = arith.constant 0 : i32
      %dma_start3A_25 = arith.constant 0 : i32
      %dma_start3A_26 = tpu.memref_slice %arg3[%arg0, %arg1, %dma_start3A_24, %dma_start3A_25] : memref<2x16x250x80xi32, #tpu.memory_space<hbm>> -> memref<1x1x250x80xi32, #tpu.memory_space<hbm>>
      %dma_start3A_27 = tpu.memref_squeeze %dma_start3A_26 : memref<1x1x250x80xi32, #tpu.memory_space<hbm>> -> memref<250x80xi32, #tpu.memory_space<hbm>>
      tpu.enqueue_dma source(%dma_start3A_27 : memref<250x80xi32, #tpu.memory_space<hbm>>) target(%arg8 : memref<250x80xi32, #tpu.memory_space<vmem>>) target_semaphore(%run_scoped3A : memref<!tpu.dma_semaphore, #tpu.memory_space<semaphore_mem>>)
      %dma_wait3A = arith.constant 0 : i32
      %dma_wait3A_28 = arith.constant 0 : i32
      %dma_wait3A_29 = tpu.memref_slice %arg3[%arg0, %arg1, %dma_wait3A, %dma_wait3A_28] : memref<2x16x250x80xi32, #tpu.memory_space<hbm>> -> memref<1x1x250x80xi32, #tpu.memory_space<hbm>>
      %dma_wait3A_30 = tpu.memref_squeeze %dma_wait3A_29 : memref<1x1x250x80xi32, #tpu.memory_space<hbm>> -> memref<250x80xi32, #tpu.memory_space<hbm>>
      %dma_wait3A_31 = arith.constant 0 : i32
      %dma_wait3A_32 = arith.constant 0 : i32
      %dma_wait3A_33 = tpu.memref_slice %arg3[%arg0, %arg1, %dma_wait3A_31, %dma_wait3A_32] : memref<2x16x250x80xi32, #tpu.memory_space<hbm>> -> memref<1x1x250x80xi32, #tpu.memory_space<hbm>>
      %dma_wait3A_34 = tpu.memref_squeeze %dma_wait3A_33 : memref<1x1x250x80xi32, #tpu.memory_space<hbm>> -> memref<250x80xi32, #tpu.memory_space<hbm>>
      tpu.wait_dma2 semaphore(%run_scoped3A : memref<!tpu.dma_semaphore, #tpu.memory_space<semaphore_mem>>) src(%dma_wait3A_34 : memref<250x80xi32, #tpu.memory_space<hbm>>) dst(%arg8 : memref<250x80xi32, #tpu.memory_space<vmem>>)
      tpu.yield
    }) : () -> ()
    %dma_start3A = arith.constant 0 : i32
    %dma_start3A_2 = arith.constant 0 : i32
    %dma_start3A_3 = tpu.memref_slice %arg7[%dma_start3A, %dma_start3A_2] : memref<250x80xi32, #tpu.memory_space<vmem>> -> memref<1x80xi32, #tpu.memory_space<vmem>>
    %dma_start3A_4 = tpu.memref_squeeze %dma_start3A_3 : memref<1x80xi32, #tpu.memory_space<vmem>> -> memref<80xi32, #tpu.memory_space<vmem>>
    %dma_start3A_5 = arith.constant 0 : i32
    %dma_start3A_6 = arith.constant 0 : i32
    %dma_start3A_7 = tpu.memref_slice %arg4[%dma_start3A_5, %dma_start3A_6] : memref<10000x128xf32, #tpu.memory_space<hbm>> -> memref<10000x128xf32, #tpu.memory_space<hbm>>
    tpu.enqueue_indirect_dma source(%dma_start3A_7 : memref<10000x128xf32, #tpu.memory_space<hbm>>) target(%arg9 : memref<80x128xf32, #tpu.memory_space<vmem>>) offsets(%dma_start3A_4 : memref<80xi32, #tpu.memory_space<vmem>>) semaphore(%arg12 : memref<!tpu.dma_semaphore, #tpu.memory_space<semaphore_mem>>)
    %scan3A = arith.constant 0 : i32
    %scan3A_8 = arith.constant 0 : i32
    %scan3A_9 = arith.constant 125 : i32
    %scan3A_10 = arith.addi %scan3A_8, %scan3A_9 : i32
    %scan3A_11 = arith.constant 1 : i32
    %scan3A_12 = scf.for %scan3A_20 = %scan3A_8 to %scan3A_10 step %scan3A_11 iter_args(%scan3A_21 = %scan3A) -> (i32)  : i32 {
      %mul3A = arith.constant 2 : i32
      %mul3A_22 = arith.muli %mul3A, %scan3A_20 : i32
      %mul3A_23 = arith.constant 2 : i32
      %mul3A_24 = arith.muli %mul3A_23, %scan3A_20 : i32
      %add3A = arith.constant 1 : i32
      %add3A_25 = arith.addi %mul3A_24, %add3A : i32
      %dma_start3A_26 = arith.constant 0 : i32
      %dma_start3A_27 = tpu.memref_slice %arg7[%add3A_25, %dma_start3A_26] : memref<250x80xi32, #tpu.memory_space<vmem>> -> memref<1x80xi32, #tpu.memory_space<vmem>>
      %dma_start3A_28 = tpu.memref_squeeze %dma_start3A_27 : memref<1x80xi32, #tpu.memory_space<vmem>> -> memref<80xi32, #tpu.memory_space<vmem>>
      %dma_start3A_29 = arith.constant 0 : i32
      %dma_start3A_30 = arith.constant 0 : i32
      %dma_start3A_31 = tpu.memref_slice %arg4[%dma_start3A_29, %dma_start3A_30] : memref<10000x128xf32, #tpu.memory_space<hbm>> -> memref<10000x128xf32, #tpu.memory_space<hbm>>
      tpu.enqueue_indirect_dma source(%dma_start3A_31 : memref<10000x128xf32, #tpu.memory_space<hbm>>) target(%arg10 : memref<80x128xf32, #tpu.memory_space<vmem>>) offsets(%dma_start3A_28 : memref<80xi32, #tpu.memory_space<vmem>>) semaphore(%arg13 : memref<!tpu.dma_semaphore, #tpu.memory_space<semaphore_mem>>)
      %dma_wait3A = arith.constant 0 : i32
      %dma_wait3A_32 = tpu.memref_slice %arg7[%mul3A_22, %dma_wait3A] : memref<250x80xi32, #tpu.memory_space<vmem>> -> memref<1x80xi32, #tpu.memory_space<vmem>>
      %dma_wait3A_33 = tpu.memref_squeeze %dma_wait3A_32 : memref<1x80xi32, #tpu.memory_space<vmem>> -> memref<80xi32, #tpu.memory_space<vmem>>
      %dma_wait3A_34 = arith.constant 0 : i32
      %dma_wait3A_35 = arith.constant 0 : i32
      %dma_wait3A_36 = tpu.memref_slice %arg4[%dma_wait3A_34, %dma_wait3A_35] : memref<10000x128xf32, #tpu.memory_space<hbm>> -> memref<10000x128xf32, #tpu.memory_space<hbm>>
      tpu.wait_indirect_dma semaphore(%arg12 : memref<!tpu.dma_semaphore, #tpu.memory_space<semaphore_mem>>) src(%dma_wait3A_36 : memref<10000x128xf32, #tpu.memory_space<hbm>>) dst(%arg9 : memref<80x128xf32, #tpu.memory_space<vmem>>)
      %get3A = arith.index_cast %mul3A_22 : i32 to index
      %get3A_37 = arith.constant 0 : index
      %get3A_38 = tpu.vector_load %arg8[%get3A, %get3A_37] {strides = array<i32>} : memref<250x80xi32, #tpu.memory_space<vmem>>, vector<1x16xi32>,
      %get3A_39 = vector.shape_cast %get3A_38 : vector<1x16xi32> to vector<16xi32>
      %dma_start3A_40 = arith.constant 0 : i32
      %dma_start3A_41 = arith.constant 0 : i32
      %dma_start3A_42 = tpu.memref_slice %arg9[%dma_start3A_40, %dma_start3A_41] : memref<80x128xf32, #tpu.memory_space<vmem>> -> memref<16x128xf32, #tpu.memory_space<vmem>>
      %dma_start3A_43 = arith.constant 0 : i32
      %dma_start3A_44 = arith.constant 0 : i32
      %dma_start3A_45 = tpu.memref_slice %arg11[%dma_start3A_43, %dma_start3A_44] : memref<5128x128xf32, #tpu.memory_space<vmem_shared>> -> memref<5128x128xf32, #tpu.memory_space<vmem_shared>>
      tpu.enqueue_indirect_dma source(%dma_start3A_42 : memref<16x128xf32, #tpu.memory_space<vmem>>) target(%dma_start3A_45 : memref<5128x128xf32, #tpu.memory_space<vmem_shared>>) offsets(%get3A_39 : vector<16xi32>) semaphore(%arg14 : memref<!tpu.dma_semaphore, #tpu.memory_space<semaphore_mem>>) {add = true}
      %get3A_46 = arith.index_cast %mul3A_22 : i32 to index
      %get3A_47 = arith.constant 16 : index
      %get3A_48 = tpu.vector_load %arg8[%get3A_46, %get3A_47] {strides = array<i32>} : memref<250x80xi32, #tpu.memory_space<vmem>>, vector<1x16xi32>,
      %get3A_49 = vector.shape_cast %get3A_48 : vector<1x16xi32> to vector<16xi32>
      %dma_start3A_50 = arith.constant 16 : i32
      %dma_start3A_51 = arith.constant 0 : i32
      %dma_start3A_52 = tpu.memref_slice %arg9[%dma_start3A_50, %dma_start3A_51] : memref<80x128xf32, #tpu.memory_space<vmem>> -> memref<16x128xf32, #tpu.memory_space<vmem>>
      %dma_start3A_53 = arith.constant 0 : i32
      %dma_start3A_54 = arith.constant 0 : i32
      %dma_start3A_55 = tpu.memref_slice %arg11[%dma_start3A_53, %dma_start3A_54] : memref<5128x128xf32, #tpu.memory_space<vmem_shared>> -> memref<5128x128xf32, #tpu.memory_space<vmem_shared>>
      tpu.enqueue_indirect_dma source(%dma_start3A_52 : memref<16x128xf32, #tpu.memory_space<vmem>>) target(%dma_start3A_55 : memref<5128x128xf32, #tpu.memory_space<vmem_shared>>) offsets(%get3A_49 : vector<16xi32>) semaphore(%arg14 : memref<!tpu.dma_semaphore, #tpu.memory_space<semaphore_mem>>) {add = true}
      %get3A_56 = arith.index_cast %mul3A_22 : i32 to index
      %get3A_57 = arith.constant 32 : index
      %get3A_58 = tpu.vector_load %arg8[%get3A_56, %get3A_57] {strides = array<i32>} : memref<250x80xi32, #tpu.memory_space<vmem>>, vector<1x16xi32>,
      %get3A_59 = vector.shape_cast %get3A_58 : vector<1x16xi32> to vector<16xi32>
      %dma_start3A_60 = arith.constant 32 : i32
      %dma_start3A_61 = arith.constant 0 : i32
      %dma_start3A_62 = tpu.memref_slice %arg9[%dma_start3A_60, %dma_start3A_61] : memref<80x128xf32, #tpu.memory_space<vmem>> -> memref<16x128xf32, #tpu.memory_space<vmem>>
      %dma_start3A_63 = arith.constant 0 : i32
      %dma_start3A_64 = arith.constant 0 : i32
      %dma_start3A_65 = tpu.memref_slice %arg11[%dma_start3A_63, %dma_start3A_64] : memref<5128x128xf32, #tpu.memory_space<vmem_shared>> -> memref<5128x128xf32, #tpu.memory_space<vmem_shared>>
      tpu.enqueue_indirect_dma source(%dma_start3A_62 : memref<16x128xf32, #tpu.memory_space<vmem>>) target(%dma_start3A_65 : memref<5128x128xf32, #tpu.memory_space<vmem_shared>>) offsets(%get3A_59 : vector<16xi32>) semaphore(%arg14 : memref<!tpu.dma_semaphore, #tpu.memory_space<semaphore_mem>>) {add = true}
      %get3A_66 = arith.index_cast %mul3A_22 : i32 to index
      %get3A_67 = arith.constant 48 : index
      %get3A_68 = tpu.vector_load %arg8[%get3A_66, %get3A_67] {strides = array<i32>} : memref<250x80xi32, #tpu.memory_space<vmem>>, vector<1x16xi32>,
      %get3A_69 = vector.shape_cast %get3A_68 : vector<1x16xi32> to vector<16xi32>
      %dma_start3A_70 = arith.constant 48 : i32
      %dma_start3A_71 = arith.constant 0 : i32
      %dma_start3A_72 = tpu.memref_slice %arg9[%dma_start3A_70, %dma_start3A_71] : memref<80x128xf32, #tpu.memory_space<vmem>> -> memref<16x128xf32, #tpu.memory_space<vmem>>
      %dma_start3A_73 = arith.constant 0 : i32
      %dma_start3A_74 = arith.constant 0 : i32
      %dma_start3A_75 = tpu.memref_slice %arg11[%dma_start3A_73, %dma_start3A_74] : memref<5128x128xf32, #tpu.memory_space<vmem_shared>> -> memref<5128x128xf32, #tpu.memory_space<vmem_shared>>
      tpu.enqueue_indirect_dma source(%dma_start3A_72 : memref<16x128xf32, #tpu.memory_space<vmem>>) target(%dma_start3A_75 : memref<5128x128xf32, #tpu.memory_space<vmem_shared>>) offsets(%get3A_69 : vector<16xi32>) semaphore(%arg14 : memref<!tpu.dma_semaphore, #tpu.memory_space<semaphore_mem>>) {add = true}
      %get3A_76 = arith.index_cast %mul3A_22 : i32 to index
      %get3A_77 = arith.constant 64 : index
      %get3A_78 = tpu.vector_load %arg8[%get3A_76, %get3A_77] {strides = array<i32>} : memref<250x80xi32, #tpu.memory_space<vmem>>, vector<1x16xi32>,
      %get3A_79 = vector.shape_cast %get3A_78 : vector<1x16xi32> to vector<16xi32>
      %dma_start3A_80 = arith.constant 64 : i32
      %dma_start3A_81 = arith.constant 0 : i32
      %dma_start3A_82 = tpu.memref_slice %arg9[%dma_start3A_80, %dma_start3A_81] : memref<80x128xf32, #tpu.memory_space<vmem>> -> memref<16x128xf32, #tpu.memory_space<vmem>>
      %dma_start3A_83 = arith.constant 0 : i32
      %dma_start3A_84 = arith.constant 0 : i32
      %dma_start3A_85 = tpu.memref_slice %arg11[%dma_start3A_83, %dma_start3A_84] : memref<5128x128xf32, #tpu.memory_space<vmem_shared>> -> memref<5128x128xf32, #tpu.memory_space<vmem_shared>>
      tpu.enqueue_indirect_dma source(%dma_start3A_82 : memref<16x128xf32, #tpu.memory_space<vmem>>) target(%dma_start3A_85 : memref<5128x128xf32, #tpu.memory_space<vmem_shared>>) offsets(%get3A_79 : vector<16xi32>) semaphore(%arg14 : memref<!tpu.dma_semaphore, #tpu.memory_space<semaphore_mem>>) {add = true}
      %dma_wait3A_86 = arith.constant 0 : i32
      %dma_wait3A_87 = arith.constant 0 : i32
      %dma_wait3A_88 = tpu.memref_slice %arg9[%dma_wait3A_86, %dma_wait3A_87] : memref<80x128xf32, #tpu.memory_space<vmem>> -> memref<16x128xf32, #tpu.memory_space<vmem>>
      %dma_wait3A_89 = arith.constant 0 : i32
      %dma_wait3A_90 = arith.constant 0 : i32
      %dma_wait3A_91 = tpu.memref_slice %arg11[%dma_wait3A_89, %dma_wait3A_90] : memref<5128x128xf32, #tpu.memory_space<vmem_shared>> -> memref<5128x128xf32, #tpu.memory_space<vmem_shared>>
      tpu.wait_indirect_dma semaphore(%arg14 : memref<!tpu.dma_semaphore, #tpu.memory_space<semaphore_mem>>) src(%dma_wait3A_88 : memref<16x128xf32, #tpu.memory_space<vmem>>) dst(%dma_wait3A_91 : memref<5128x128xf32, #tpu.memory_space<vmem_shared>>)
      %dma_wait3A_92 = arith.constant 16 : i32
      %dma_wait3A_93 = arith.constant 0 : i32
      %dma_wait3A_94 = tpu.memref_slice %arg9[%dma_wait3A_92, %dma_wait3A_93] : memref<80x128xf32, #tpu.memory_space<vmem>> -> memref<16x128xf32, #tpu.memory_space<vmem>>
      %dma_wait3A_95 = arith.constant 0 : i32
      %dma_wait3A_96 = arith.constant 0 : i32
      %dma_wait3A_97 = tpu.memref_slice %arg11[%dma_wait3A_95, %dma_wait3A_96] : memref<5128x128xf32, #tpu.memory_space<vmem_shared>> -> memref<5128x128xf32, #tpu.memory_space<vmem_shared>>
      tpu.wait_indirect_dma semaphore(%arg14 : memref<!tpu.dma_semaphore, #tpu.memory_space<semaphore_mem>>) src(%dma_wait3A_94 : memref<16x128xf32, #tpu.memory_space<vmem>>) dst(%dma_wait3A_97 : memref<5128x128xf32, #tpu.memory_space<vmem_shared>>)
      %dma_wait3A_98 = arith.constant 32 : i32
      %dma_wait3A_99 = arith.constant 0 : i32
      %dma_wait3A_100 = tpu.memref_slice %arg9[%dma_wait3A_98, %dma_wait3A_99] : memref<80x128xf32, #tpu.memory_space<vmem>> -> memref<16x128xf32, #tpu.memory_space<vmem>>
      %dma_wait3A_101 = arith.constant 0 : i32
      %dma_wait3A_102 = arith.constant 0 : i32
      %dma_wait3A_103 = tpu.memref_slice %arg11[%dma_wait3A_101, %dma_wait3A_102] : memref<5128x128xf32, #tpu.memory_space<vmem_shared>> -> memref<5128x128xf32, #tpu.memory_space<vmem_shared>>
      tpu.wait_indirect_dma semaphore(%arg14 : memref<!tpu.dma_semaphore, #tpu.memory_space<semaphore_mem>>) src(%dma_wait3A_100 : memref<16x128xf32, #tpu.memory_space<vmem>>) dst(%dma_wait3A_103 : memref<5128x128xf32, #tpu.memory_space<vmem_shared>>)
      %dma_wait3A_104 = arith.constant 48 : i32
      %dma_wait3A_105 = arith.constant 0 : i32
      %dma_wait3A_106 = tpu.memref_slice %arg9[%dma_wait3A_104, %dma_wait3A_105] : memref<80x128xf32, #tpu.memory_space<vmem>> -> memref<16x128xf32, #tpu.memory_space<vmem>>
      %dma_wait3A_107 = arith.constant 0 : i32
      %dma_wait3A_108 = arith.constant 0 : i32
      %dma_wait3A_109 = tpu.memref_slice %arg11[%dma_wait3A_107, %dma_wait3A_108] : memref<5128x128xf32, #tpu.memory_space<vmem_shared>> -> memref<5128x128xf32, #tpu.memory_space<vmem_shared>>
      tpu.wait_indirect_dma semaphore(%arg14 : memref<!tpu.dma_semaphore, #tpu.memory_space<semaphore_mem>>) src(%dma_wait3A_106 : memref<16x128xf32, #tpu.memory_space<vmem>>) dst(%dma_wait3A_109 : memref<5128x128xf32, #tpu.memory_space<vmem_shared>>)
      %dma_wait3A_110 = arith.constant 64 : i32
      %dma_wait3A_111 = arith.constant 0 : i32
      %dma_wait3A_112 = tpu.memref_slice %arg9[%dma_wait3A_110, %dma_wait3A_111] : memref<80x128xf32, #tpu.memory_space<vmem>> -> memref<16x128xf32, #tpu.memory_space<vmem>>
      %dma_wait3A_113 = arith.constant 0 : i32
      %dma_wait3A_114 = arith.constant 0 : i32
      %dma_wait3A_115 = tpu.memref_slice %arg11[%dma_wait3A_113, %dma_wait3A_114] : memref<5128x128xf32, #tpu.memory_space<vmem_shared>> -> memref<5128x128xf32, #tpu.memory_space<vmem_shared>>
      tpu.wait_indirect_dma semaphore(%arg14 : memref<!tpu.dma_semaphore, #tpu.memory_space<semaphore_mem>>) src(%dma_wait3A_112 : memref<16x128xf32, #tpu.memory_space<vmem>>) dst(%dma_wait3A_115 : memref<5128x128xf32, #tpu.memory_space<vmem_shared>>)
      %add3A_116 = arith.constant 2 : i32
      %add3A_117 = arith.addi %mul3A_22, %add3A_116 : i32
      %lt3A = arith.constant 250 : i32
      %lt3A_118 = arith.cmpi slt, %add3A_117, %lt3A : i32
      %convert_element_type3A_119 = arith.extui %lt3A_118 : i1 to i32
      %cond3A_120 = arith.constant 0 : i32
      %cond3A_121 = arith.cmpi ne, %convert_element_type3A_119, %cond3A_120 : i32
      scf.if %cond3A_121 {
        %add3A_209 = arith.constant 2 : i32
        %add3A_210 = arith.addi %mul3A_22, %add3A_209 : i32
        %dma_start3A_211 = arith.constant 0 : i32
        %dma_start3A_212 = tpu.memref_slice %arg7[%add3A_210, %dma_start3A_211] : memref<250x80xi32, #tpu.memory_space<vmem>> -> memref<1x80xi32, #tpu.memory_space<vmem>>
        %dma_start3A_213 = tpu.memref_squeeze %dma_start3A_212 : memref<1x80xi32, #tpu.memory_space<vmem>> -> memref<80xi32, #tpu.memory_space<vmem>>
        %dma_start3A_214 = arith.constant 0 : i32
        %dma_start3A_215 = arith.constant 0 : i32
        %dma_start3A_216 = tpu.memref_slice %arg4[%dma_start3A_214, %dma_start3A_215] : memref<10000x128xf32, #tpu.memory_space<hbm>> -> memref<10000x128xf32, #tpu.memory_space<hbm>>
        tpu.enqueue_indirect_dma source(%dma_start3A_216 : memref<10000x128xf32, #tpu.memory_space<hbm>>) target(%arg9 : memref<80x128xf32, #tpu.memory_space<vmem>>) offsets(%dma_start3A_213 : memref<80xi32, #tpu.memory_space<vmem>>) semaphore(%arg12 : memref<!tpu.dma_semaphore, #tpu.memory_space<semaphore_mem>>)
      } else {
      }
      %dma_wait3A_122 = arith.constant 0 : i32
      %dma_wait3A_123 = tpu.memref_slice %arg7[%add3A_25, %dma_wait3A_122] : memref<250x80xi32, #tpu.memory_space<vmem>> -> memref<1x80xi32, #tpu.memory_space<vmem>>
      %dma_wait3A_124 = tpu.memref_squeeze %dma_wait3A_123 : memref<1x80xi32, #tpu.memory_space<vmem>> -> memref<80xi32, #tpu.memory_space<vmem>>
      %dma_wait3A_125 = arith.constant 0 : i32
      %dma_wait3A_126 = arith.constant 0 : i32
      %dma_wait3A_127 = tpu.memref_slice %arg4[%dma_wait3A_125, %dma_wait3A_126] : memref<10000x128xf32, #tpu.memory_space<hbm>> -> memref<10000x128xf32, #tpu.memory_space<hbm>>
      tpu.wait_indirect_dma semaphore(%arg13 : memref<!tpu.dma_semaphore, #tpu.memory_space<semaphore_mem>>) src(%dma_wait3A_127 : memref<10000x128xf32, #tpu.memory_space<hbm>>) dst(%arg10 : memref<80x128xf32, #tpu.memory_space<vmem>>)
      %get3A_128 = arith.index_cast %add3A_25 : i32 to index
      %get3A_129 = arith.constant 0 : index
      %get3A_130 = tpu.vector_load %arg8[%get3A_128, %get3A_129] {strides = array<i32>} : memref<250x80xi32, #tpu.memory_space<vmem>>, vector<1x16xi32>,
      %get3A_131 = vector.shape_cast %get3A_130 : vector<1x16xi32> to vector<16xi32>
      %dma_start3A_132 = arith.constant 0 : i32
      %dma_start3A_133 = arith.constant 0 : i32
      %dma_start3A_134 = tpu.memref_slice %arg10[%dma_start3A_132, %dma_start3A_133] : memref<80x128xf32, #tpu.memory_space<vmem>> -> memref<16x128xf32, #tpu.memory_space<vmem>>
      %dma_start3A_135 = arith.constant 0 : i32
      %dma_start3A_136 = arith.constant 0 : i32
      %dma_start3A_137 = tpu.memref_slice %arg11[%dma_start3A_135, %dma_start3A_136] : memref<5128x128xf32, #tpu.memory_space<vmem_shared>> -> memref<5128x128xf32, #tpu.memory_space<vmem_shared>>
      tpu.enqueue_indirect_dma source(%dma_start3A_134 : memref<16x128xf32, #tpu.memory_space<vmem>>) target(%dma_start3A_137 : memref<5128x128xf32, #tpu.memory_space<vmem_shared>>) offsets(%get3A_131 : vector<16xi32>) semaphore(%arg15 : memref<!tpu.dma_semaphore, #tpu.memory_space<semaphore_mem>>) {add = true}
      %get3A_138 = arith.index_cast %add3A_25 : i32 to index
      %get3A_139 = arith.constant 16 : index
      %get3A_140 = tpu.vector_load %arg8[%get3A_138, %get3A_139] {strides = array<i32>} : memref<250x80xi32, #tpu.memory_space<vmem>>, vector<1x16xi32>,
      %get3A_141 = vector.shape_cast %get3A_140 : vector<1x16xi32> to vector<16xi32>
      %dma_start3A_142 = arith.constant 16 : i32
      %dma_start3A_143 = arith.constant 0 : i32
      %dma_start3A_144 = tpu.memref_slice %arg10[%dma_start3A_142, %dma_start3A_143] : memref<80x128xf32, #tpu.memory_space<vmem>> -> memref<16x128xf32, #tpu.memory_space<vmem>>
      %dma_start3A_145 = arith.constant 0 : i32
      %dma_start3A_146 = arith.constant 0 : i32
      %dma_start3A_147 = tpu.memref_slice %arg11[%dma_start3A_145, %dma_start3A_146] : memref<5128x128xf32, #tpu.memory_space<vmem_shared>> -> memref<5128x128xf32, #tpu.memory_space<vmem_shared>>
      tpu.enqueue_indirect_dma source(%dma_start3A_144 : memref<16x128xf32, #tpu.memory_space<vmem>>) target(%dma_start3A_147 : memref<5128x128xf32, #tpu.memory_space<vmem_shared>>) offsets(%get3A_141 : vector<16xi32>) semaphore(%arg15 : memref<!tpu.dma_semaphore, #tpu.memory_space<semaphore_mem>>) {add = true}
      %get3A_148 = arith.index_cast %add3A_25 : i32 to index
      %get3A_149 = arith.constant 32 : index
      %get3A_150 = tpu.vector_load %arg8[%get3A_148, %get3A_149] {strides = array<i32>} : memref<250x80xi32, #tpu.memory_space<vmem>>, vector<1x16xi32>,
      %get3A_151 = vector.shape_cast %get3A_150 : vector<1x16xi32> to vector<16xi32>
      %dma_start3A_152 = arith.constant 32 : i32
      %dma_start3A_153 = arith.constant 0 : i32
      %dma_start3A_154 = tpu.memref_slice %arg10[%dma_start3A_152, %dma_start3A_153] : memref<80x128xf32, #tpu.memory_space<vmem>> -> memref<16x128xf32, #tpu.memory_space<vmem>>
      %dma_start3A_155 = arith.constant 0 : i32
      %dma_start3A_156 = arith.constant 0 : i32
      %dma_start3A_157 = tpu.memref_slice %arg11[%dma_start3A_155, %dma_start3A_156] : memref<5128x128xf32, #tpu.memory_space<vmem_shared>> -> memref<5128x128xf32, #tpu.memory_space<vmem_shared>>
      tpu.enqueue_indirect_dma source(%dma_start3A_154 : memref<16x128xf32, #tpu.memory_space<vmem>>) target(%dma_start3A_157 : memref<5128x128xf32, #tpu.memory_space<vmem_shared>>) offsets(%get3A_151 : vector<16xi32>) semaphore(%arg15 : memref<!tpu.dma_semaphore, #tpu.memory_space<semaphore_mem>>) {add = true}
      %get3A_158 = arith.index_cast %add3A_25 : i32 to index
      %get3A_159 = arith.constant 48 : index
      %get3A_160 = tpu.vector_load %arg8[%get3A_158, %get3A_159] {strides = array<i32>} : memref<250x80xi32, #tpu.memory_space<vmem>>, vector<1x16xi32>,
      %get3A_161 = vector.shape_cast %get3A_160 : vector<1x16xi32> to vector<16xi32>
      %dma_start3A_162 = arith.constant 48 : i32
      %dma_start3A_163 = arith.constant 0 : i32
      %dma_start3A_164 = tpu.memref_slice %arg10[%dma_start3A_162, %dma_start3A_163] : memref<80x128xf32, #tpu.memory_space<vmem>> -> memref<16x128xf32, #tpu.memory_space<vmem>>
      %dma_start3A_165 = arith.constant 0 : i32
      %dma_start3A_166 = arith.constant 0 : i32
      %dma_start3A_167 = tpu.memref_slice %arg11[%dma_start3A_165, %dma_start3A_166] : memref<5128x128xf32, #tpu.memory_space<vmem_shared>> -> memref<5128x128xf32, #tpu.memory_space<vmem_shared>>
      tpu.enqueue_indirect_dma source(%dma_start3A_164 : memref<16x128xf32, #tpu.memory_space<vmem>>) target(%dma_start3A_167 : memref<5128x128xf32, #tpu.memory_space<vmem_shared>>) offsets(%get3A_161 : vector<16xi32>) semaphore(%arg15 : memref<!tpu.dma_semaphore, #tpu.memory_space<semaphore_mem>>) {add = true}
      %get3A_168 = arith.index_cast %add3A_25 : i32 to index
      %get3A_169 = arith.constant 64 : index
      %get3A_170 = tpu.vector_load %arg8[%get3A_168, %get3A_169] {strides = array<i32>} : memref<250x80xi32, #tpu.memory_space<vmem>>, vector<1x16xi32>,
      %get3A_171 = vector.shape_cast %get3A_170 : vector<1x16xi32> to vector<16xi32>
      %dma_start3A_172 = arith.constant 64 : i32
      %dma_start3A_173 = arith.constant 0 : i32
      %dma_start3A_174 = tpu.memref_slice %arg10[%dma_start3A_172, %dma_start3A_173] : memref<80x128xf32, #tpu.memory_space<vmem>> -> memref<16x128xf32, #tpu.memory_space<vmem>>
      %dma_start3A_175 = arith.constant 0 : i32
      %dma_start3A_176 = arith.constant 0 : i32
      %dma_start3A_177 = tpu.memref_slice %arg11[%dma_start3A_175, %dma_start3A_176] : memref<5128x128xf32, #tpu.memory_space<vmem_shared>> -> memref<5128x128xf32, #tpu.memory_space<vmem_shared>>
      tpu.enqueue_indirect_dma source(%dma_start3A_174 : memref<16x128xf32, #tpu.memory_space<vmem>>) target(%dma_start3A_177 : memref<5128x128xf32, #tpu.memory_space<vmem_shared>>) offsets(%get3A_171 : vector<16xi32>) semaphore(%arg15 : memref<!tpu.dma_semaphore, #tpu.memory_space<semaphore_mem>>) {add = true}
      %dma_wait3A_178 = arith.constant 0 : i32
      %dma_wait3A_179 = arith.constant 0 : i32
      %dma_wait3A_180 = tpu.memref_slice %arg10[%dma_wait3A_178, %dma_wait3A_179] : memref<80x128xf32, #tpu.memory_space<vmem>> -> memref<16x128xf32, #tpu.memory_space<vmem>>
      %dma_wait3A_181 = arith.constant 0 : i32
      %dma_wait3A_182 = arith.constant 0 : i32
      %dma_wait3A_183 = tpu.memref_slice %arg11[%dma_wait3A_181, %dma_wait3A_182] : memref<5128x128xf32, #tpu.memory_space<vmem_shared>> -> memref<5128x128xf32, #tpu.memory_space<vmem_shared>>
      tpu.wait_indirect_dma semaphore(%arg15 : memref<!tpu.dma_semaphore, #tpu.memory_space<semaphore_mem>>) src(%dma_wait3A_180 : memref<16x128xf32, #tpu.memory_space<vmem>>) dst(%dma_wait3A_183 : memref<5128x128xf32, #tpu.memory_space<vmem_shared>>)
      %dma_wait3A_184 = arith.constant 16 : i32
      %dma_wait3A_185 = arith.constant 0 : i32
      %dma_wait3A_186 = tpu.memref_slice %arg10[%dma_wait3A_184, %dma_wait3A_185] : memref<80x128xf32, #tpu.memory_space<vmem>> -> memref<16x128xf32, #tpu.memory_space<vmem>>
      %dma_wait3A_187 = arith.constant 0 : i32
      %dma_wait3A_188 = arith.constant 0 : i32
      %dma_wait3A_189 = tpu.memref_slice %arg11[%dma_wait3A_187, %dma_wait3A_188] : memref<5128x128xf32, #tpu.memory_space<vmem_shared>> -> memref<5128x128xf32, #tpu.memory_space<vmem_shared>>
      tpu.wait_indirect_dma semaphore(%arg15 : memref<!tpu.dma_semaphore, #tpu.memory_space<semaphore_mem>>) src(%dma_wait3A_186 : memref<16x128xf32, #tpu.memory_space<vmem>>) dst(%dma_wait3A_189 : memref<5128x128xf32, #tpu.memory_space<vmem_shared>>)
      %dma_wait3A_190 = arith.constant 32 : i32
      %dma_wait3A_191 = arith.constant 0 : i32
      %dma_wait3A_192 = tpu.memref_slice %arg10[%dma_wait3A_190, %dma_wait3A_191] : memref<80x128xf32, #tpu.memory_space<vmem>> -> memref<16x128xf32, #tpu.memory_space<vmem>>
      %dma_wait3A_193 = arith.constant 0 : i32
      %dma_wait3A_194 = arith.constant 0 : i32
      %dma_wait3A_195 = tpu.memref_slice %arg11[%dma_wait3A_193, %dma_wait3A_194] : memref<5128x128xf32, #tpu.memory_space<vmem_shared>> -> memref<5128x128xf32, #tpu.memory_space<vmem_shared>>
      tpu.wait_indirect_dma semaphore(%arg15 : memref<!tpu.dma_semaphore, #tpu.memory_space<semaphore_mem>>) src(%dma_wait3A_192 : memref<16x128xf32, #tpu.memory_space<vmem>>) dst(%dma_wait3A_195 : memref<5128x128xf32, #tpu.memory_space<vmem_shared>>)
      %dma_wait3A_196 = arith.constant 48 : i32
      %dma_wait3A_197 = arith.constant 0 : i32
      %dma_wait3A_198 = tpu.memref_slice %arg10[%dma_wait3A_196, %dma_wait3A_197] : memref<80x128xf32, #tpu.memory_space<vmem>> -> memref<16x128xf32, #tpu.memory_space<vmem>>
      %dma_wait3A_199 = arith.constant 0 : i32
      %dma_wait3A_200 = arith.constant 0 : i32
      %dma_wait3A_201 = tpu.memref_slice %arg11[%dma_wait3A_199, %dma_wait3A_200] : memref<5128x128xf32, #tpu.memory_space<vmem_shared>> -> memref<5128x128xf32, #tpu.memory_space<vmem_shared>>
      tpu.wait_indirect_dma semaphore(%arg15 : memref<!tpu.dma_semaphore, #tpu.memory_space<semaphore_mem>>) src(%dma_wait3A_198 : memref<16x128xf32, #tpu.memory_space<vmem>>) dst(%dma_wait3A_201 : memref<5128x128xf32, #tpu.memory_space<vmem_shared>>)
      %dma_wait3A_202 = arith.constant 64 : i32
      %dma_wait3A_203 = arith.constant 0 : i32
      %dma_wait3A_204 = tpu.memref_slice %arg10[%dma_wait3A_202, %dma_wait3A_203] : memref<80x128xf32, #tpu.memory_space<vmem>> -> memref<16x128xf32, #tpu.memory_space<vmem>>
      %dma_wait3A_205 = arith.constant 0 : i32
      %dma_wait3A_206 = arith.constant 0 : i32
      %dma_wait3A_207 = tpu.memref_slice %arg11[%dma_wait3A_205, %dma_wait3A_206] : memref<5128x128xf32, #tpu.memory_space<vmem_shared>> -> memref<5128x128xf32, #tpu.memory_space<vmem_shared>>
      tpu.wait_indirect_dma semaphore(%arg15 : memref<!tpu.dma_semaphore, #tpu.memory_space<semaphore_mem>>) src(%dma_wait3A_204 : memref<16x128xf32, #tpu.memory_space<vmem>>) dst(%dma_wait3A_207 : memref<5128x128xf32, #tpu.memory_space<vmem_shared>>)
      %scan3A_208 = arith.constant 0 : i32
      scf.yield %scan3A_208 : i32
    }
    %scan3A_13 = arith.constant 125 : i32
    %barrier3A_14 = arith.constant 0 : index
    tpu.barrier barrier_id(%barrier3A_14)
    %eq3A_15 = arith.constant 0 : i32
    %eq3A_16 = arith.cmpi eq, %arg1, %eq3A_15 : i32
    %convert_element_type3A_17 = arith.extui %eq3A_16 : i1 to i32
    %cond3A_18 = arith.constant 0 : i32
    %cond3A_19 = arith.cmpi ne, %convert_element_type3A_17, %cond3A_18 : i32
    scf.if %cond3A_19 {
      "tpu.region"() ({
        %run_scoped3A = tpu.sem_alloc : memref<!tpu.dma_semaphore, #tpu.memory_space<semaphore_mem>>
        %dma_start3A_20 = arith.constant 0 : i32
        %dma_start3A_21 = arith.constant 0 : i32
        %dma_start3A_22 = tpu.memref_slice %arg6[%arg0, %dma_start3A_20, %dma_start3A_21] : memref<2x5128x128xf32, #tpu.memory_space<hbm>> -> memref<1x5128x128xf32, #tpu.memory_space<hbm>>
        %dma_start3A_23 = tpu.memref_squeeze %dma_start3A_22 : memref<1x5128x128xf32, #tpu.memory_space<hbm>> -> memref<5128x128xf32, #tpu.memory_space<hbm>>
        tpu.enqueue_dma source(%arg11 : memref<5128x128xf32, #tpu.memory_space<vmem_shared>>) target(%dma_start3A_23 : memref<5128x128xf32, #tpu.memory_space<hbm>>) target_semaphore(%run_scoped3A : memref<!tpu.dma_semaphore, #tpu.memory_space<semaphore_mem>>)
        %dma_wait3A = arith.constant 0 : i32
        %dma_wait3A_24 = arith.constant 0 : i32
        %dma_wait3A_25 = tpu.memref_slice %arg6[%arg0, %dma_wait3A, %dma_wait3A_24] : memref<2x5128x128xf32, #tpu.memory_space<hbm>> -> memref<1x5128x128xf32, #tpu.memory_space<hbm>>
        %dma_wait3A_26 = tpu.memref_squeeze %dma_wait3A_25 : memref<1x5128x128xf32, #tpu.memory_space<hbm>> -> memref<5128x128xf32, #tpu.memory_space<hbm>>
        tpu.wait_dma2 semaphore(%run_scoped3A : memref<!tpu.dma_semaphore, #tpu.memory_space<semaphore_mem>>) src(%arg11 : memref<5128x128xf32, #tpu.memory_space<vmem_shared>>) dst(%dma_wait3A_26 : memref<5128x128xf32, #tpu.memory_space<hbm>>)
        tpu.yield
      }) : () -> ()
    } else {
    }
    return
  }
}

module attributes {stable_mosaic.version = 14 : i64} {
  func.func @_tc_prep(%arg0: memref<16x250x80xi32, #tpu.memory_space<vmem>>, %arg1: memref<2x16x250x80xi32, #tpu.memory_space<vmem>>) attributes {dimension_semantics = [], scalar_prefetch = 0 : i64, scratch_operands = 0 : i64, tpu.core_type = #tpu.core_type<tc>} {
    %get3A = arith.constant 0 : index
    %get3A_0 = arith.constant 0 : index
    %get3A_1 = arith.constant 0 : index
    %get3A_2 = vector.load %arg0[%get3A, %get3A_0, %get3A_1] : memref<16x250x80xi32, #tpu.memory_space<vmem>>, vector<16x250x80xi32>
    %lt3A = arith.constant 5120 : i32
    %lt3A_3 = vector.broadcast %lt3A : i32 to vector<16x250x80xi32>
    %lt3A_4 = arith.cmpi slt, %get3A_2, %lt3A_3 : vector<16x250x80xi32>
    %jit3A = arith.constant 5120 : i32
    %broadcast_in_dim3A = vector.broadcast %jit3A : i32 to vector<16x250x80xi32>
    %select_n3A = arith.select %lt3A_4, %get3A_2, %broadcast_in_dim3A : vector<16x250x80xi1>, vector<16x250x80xi32>
    %swap3A = arith.constant 0 : index
    %swap3A_5 = arith.constant 0 : index
    %swap3A_6 = arith.constant 0 : index
    %swap3A_7 = arith.constant 0 : index
    %swap3A_8 = vector.load %arg1[%swap3A, %swap3A_5, %swap3A_6, %swap3A_7] : memref<2x16x250x80xi32, #tpu.memory_space<vmem>>, vector<1x16x250x80xi32>
    %swap3A_9 = vector.shape_cast %swap3A_8 : vector<1x16x250x80xi32> to vector<16x250x80xi32>
    %swap3A_10 = vector.shape_cast %select_n3A : vector<16x250x80xi32> to vector<1x16x250x80xi32>
    tpu.vector_store %arg1[%swap3A, %swap3A_5, %swap3A_6, %swap3A_7], %swap3A_10 {strides = array<i32>} : memref<2x16x250x80xi32, #tpu.memory_space<vmem>>, vector<1x16x250x80xi32>,
    %sub3A = arith.constant 5120 : i32
    %sub3A_11 = vector.broadcast %sub3A : i32 to vector<16x250x80xi32>
    %sub3A_12 = arith.subi %get3A_2, %sub3A_11 : vector<16x250x80xi32>
    %ge3A = arith.constant 0 : i32
    %ge3A_13 = vector.broadcast %ge3A : i32 to vector<16x250x80xi32>
    %ge3A_14 = arith.cmpi sge, %sub3A_12, %ge3A_13 : vector<16x250x80xi32>
    %jit3A_15 = arith.constant 5120 : i32
    %broadcast_in_dim3A_16 = vector.broadcast %jit3A_15 : i32 to vector<16x250x80xi32>
    %select_n3A_17 = arith.select %ge3A_14, %sub3A_12, %broadcast_in_dim3A_16 : vector<16x250x80xi1>, vector<16x250x80xi32>
    %swap3A_18 = arith.constant 1 : index
    %swap3A_19 = arith.constant 0 : index
    %swap3A_20 = arith.constant 0 : index
    %swap3A_21 = arith.constant 0 : index
    %swap3A_22 = vector.load %arg1[%swap3A_18, %swap3A_19, %swap3A_20, %swap3A_21] : memref<2x16x250x80xi32, #tpu.memory_space<vmem>>, vector<1x16x250x80xi32>
    %swap3A_23 = vector.shape_cast %swap3A_22 : vector<1x16x250x80xi32> to vector<16x250x80xi32>
    %swap3A_24 = vector.shape_cast %select_n3A_17 : vector<16x250x80xi32> to vector<1x16x250x80xi32>
    tpu.vector_store %arg1[%swap3A_18, %swap3A_19, %swap3A_20, %swap3A_21], %swap3A_24 {strides = array<i32>} : memref<2x16x250x80xi32, #tpu.memory_space<vmem>>, vector<1x16x250x80xi32>,
    return
  }
}

module attributes {stable_mosaic.version = 14 : i64} {
  func.func @_tc_a(%arg0: memref<10000x128xf32, #tpu.memory_space<vmem>>, %arg1: memref<128x128xf32, #tpu.memory_space<vmem>>, %arg2: memref<2x5128x128xf32, #tpu.memory_space<vmem>>, %arg3: memref<10000x128xf32, #tpu.memory_space<vmem>>, %arg4: memref<10000x1xf32, #tpu.memory_space<vmem>>) attributes {dimension_semantics = [], scalar_prefetch = 0 : i64, scratch_operands = 0 : i64, tpu.core_type = #tpu.core_type<tc>} {
    %get3A = arith.constant 0 : index
    %get3A_0 = arith.constant 0 : index
    %get3A_1 = arith.constant 0 : index
    %get3A_2 = vector.load %arg2[%get3A, %get3A_0, %get3A_1] : memref<2x5128x128xf32, #tpu.memory_space<vmem>>, vector<1x5120x128xf32>
    %get3A_3 = vector.shape_cast %get3A_2 : vector<1x5120x128xf32> to vector<5120x128xf32>
    %get3A_4 = arith.constant 1 : index
    %get3A_5 = arith.constant 0 : index
    %get3A_6 = arith.constant 0 : index
    %get3A_7 = vector.load %arg2[%get3A_4, %get3A_5, %get3A_6] : memref<2x5128x128xf32, #tpu.memory_space<vmem>>, vector<1x4880x128xf32>
    %get3A_8 = vector.shape_cast %get3A_7 : vector<1x4880x128xf32> to vector<4880x128xf32>
    %concatenate3A = tpu.concatenate %get3A_3, %get3A_8 in 0 : vector<5120x128xf32>, vector<4880x128xf32> -> vector<10000x128xf32>
    %slice3A = vector.extract_strided_slice %concatenate3A {offsets = [0, 0], sizes = [10000, 1], strides = [1, 1]} : vector<10000x128xf32> to vector<10000x1xf32>
    %add3A = arith.constant 1.000000e+00 : f32
    %add3A_9 = vector.broadcast %add3A : f32 to vector<10000x1xf32>
    %add3A_10 = arith.addf %add3A_9, %slice3A : vector<10000x1xf32>
    %rsqrt3A = math.rsqrt %add3A_10 : vector<10000x1xf32>
    %swap3A = arith.constant 0 : index
    %swap3A_11 = arith.constant 0 : index
    %swap3A_12 = vector.load %arg4[%swap3A, %swap3A_11] : memref<10000x1xf32, #tpu.memory_space<vmem>>, vector<10000x1xf32>
    tpu.vector_store %arg4[%swap3A, %swap3A_11], %rsqrt3A {strides = array<i32>} : memref<10000x1xf32, #tpu.memory_space<vmem>>, vector<10000x1xf32>,
    %get3A_13 = arith.constant 0 : index
    %get3A_14 = arith.constant 0 : index
    %get3A_15 = vector.load %arg0[%get3A_13, %get3A_14] : memref<10000x128xf32, #tpu.memory_space<vmem>>, vector<10000x128xf32>
    %get3A_16 = arith.constant 0 : index
    %get3A_17 = arith.constant 0 : index
    %get3A_18 = vector.load %arg1[%get3A_16, %get3A_17] : memref<128x128xf32, #tpu.memory_space<vmem>>, vector<128x128xf32>
    %dot_general3A = arith.constant dense<0.000000e+00> : vector<10000x128xf32>
    %dot_general3A_19 = tpu.matmul %get3A_15, %get3A_18, %dot_general3A {dimension_numbers = #tpu.dot_dimension_numbers<[1], [0], [0], [1], [0, 0, 1, 1], [], []>, transpose_lhs_hint = false} : vector<10000x128xf32>, vector<128x128xf32>, vector<10000x128xf32> -> vector<10000x128xf32>
    %mul3A = vector.broadcast %rsqrt3A : vector<10000x1xf32> to vector<10000x128xf32>
    %mul3A_20 = arith.mulf %mul3A, %dot_general3A_19 : vector<10000x128xf32>
    %swap3A_21 = arith.constant 0 : index
    %swap3A_22 = arith.constant 0 : index
    %swap3A_23 = vector.load %arg3[%swap3A_21, %swap3A_22] : memref<10000x128xf32, #tpu.memory_space<vmem>>, vector<10000x128xf32>
    tpu.vector_store %arg3[%swap3A_21, %swap3A_22], %mul3A_20 {strides = array<i32>} : memref<10000x128xf32, #tpu.memory_space<vmem>>, vector<10000x128xf32>,
    return
  }
}

module attributes {stable_mosaic.version = 14 : i64} {
  func.func @_tc_b(%arg0: memref<2x5128x128xf32, #tpu.memory_space<vmem>>, %arg1: memref<10000x128xf32, #tpu.memory_space<vmem>>, %arg2: memref<10000x1xf32, #tpu.memory_space<vmem>>, %arg3: memref<1x128xf32, #tpu.memory_space<vmem>>, %arg4: memref<1x128xf32, #tpu.memory_space<vmem>>, %arg5: memref<1x128xf32, #tpu.memory_space<vmem>>, %arg6: memref<128x128xf32, #tpu.memory_space<vmem>>, %arg7: memref<10000x128xf32, #tpu.memory_space<vmem>>) attributes {dimension_semantics = [], scalar_prefetch = 0 : i64, scratch_operands = 0 : i64, tpu.core_type = #tpu.core_type<tc>} {
    %get3A = arith.constant 0 : index
    %get3A_0 = arith.constant 0 : index
    %get3A_1 = vector.load %arg2[%get3A, %get3A_0] : memref<10000x1xf32, #tpu.memory_space<vmem>>, vector<10000x1xf32>
    %get3A_2 = arith.constant 0 : index
    %get3A_3 = arith.constant 0 : index
    %get3A_4 = arith.constant 0 : index
    %get3A_5 = vector.load %arg0[%get3A_2, %get3A_3, %get3A_4] : memref<2x5128x128xf32, #tpu.memory_space<vmem>>, vector<1x5120x128xf32>
    %get3A_6 = vector.shape_cast %get3A_5 : vector<1x5120x128xf32> to vector<5120x128xf32>
    %get3A_7 = arith.constant 1 : index
    %get3A_8 = arith.constant 0 : index
    %get3A_9 = arith.constant 0 : index
    %get3A_10 = vector.load %arg0[%get3A_7, %get3A_8, %get3A_9] : memref<2x5128x128xf32, #tpu.memory_space<vmem>>, vector<1x4880x128xf32>
    %get3A_11 = vector.shape_cast %get3A_10 : vector<1x4880x128xf32> to vector<4880x128xf32>
    %concatenate3A = tpu.concatenate %get3A_6, %get3A_11 in 0 : vector<5120x128xf32>, vector<4880x128xf32> -> vector<10000x128xf32>
    %get3A_12 = arith.constant 0 : index
    %get3A_13 = arith.constant 0 : index
    %get3A_14 = vector.load %arg1[%get3A_12, %get3A_13] : memref<10000x128xf32, #tpu.memory_space<vmem>>, vector<10000x128xf32>
    %get3A_15 = arith.constant 0 : index
    %get3A_16 = arith.constant 0 : index
    %get3A_17 = vector.load %arg3[%get3A_15, %get3A_16] : memref<1x128xf32, #tpu.memory_space<vmem>>, vector<1x128xf32>
    %get3A_18 = arith.constant 0 : index
    %get3A_19 = arith.constant 0 : index
    %get3A_20 = vector.load %arg4[%get3A_18, %get3A_19] : memref<1x128xf32, #tpu.memory_space<vmem>>, vector<1x128xf32>
    %get3A_21 = arith.constant 0 : index
    %get3A_22 = arith.constant 0 : index
    %get3A_23 = vector.load %arg5[%get3A_21, %get3A_22] : memref<1x128xf32, #tpu.memory_space<vmem>>, vector<1x128xf32>
    %add3A = arith.addf %concatenate3A, %get3A_14 : vector<10000x128xf32>
    %mul3A = vector.broadcast %get3A_1 : vector<10000x1xf32> to vector<10000x128xf32>
    %mul3A_24 = arith.mulf %mul3A, %add3A : vector<10000x128xf32>
    %add3A_25 = vector.broadcast %get3A_17 : vector<1x128xf32> to vector<10000x128xf32>
    %add3A_26 = arith.addf %mul3A_24, %add3A_25 : vector<10000x128xf32>
    %reduce_sum3A = arith.constant dense<0.000000e+00> : vector<128xf32>
    %reduce_sum3A_27 = vector.multi_reduction <add>, %add3A_26, %reduce_sum3A [0] : vector<10000x128xf32> to vector<128xf32>
    %broadcast_in_dim3A = vector.shape_cast %reduce_sum3A_27 : vector<128xf32> to vector<1x128xf32>
    %div3A = arith.constant 1.000000e+04 : f32
    %div3A_28 = vector.broadcast %div3A : f32 to vector<1x128xf32>
    %div3A_29 = arith.divf %broadcast_in_dim3A, %div3A_28 : vector<1x128xf32>
    %sub3A = vector.broadcast %div3A_29 : vector<1x128xf32> to vector<10000x128xf32>
    %sub3A_30 = arith.subf %add3A_26, %sub3A : vector<10000x128xf32>
    %integer_pow3A = arith.mulf %sub3A_30, %sub3A_30 : vector<10000x128xf32>
    %reduce_sum3A_31 = arith.constant dense<0.000000e+00> : vector<128xf32>
    %reduce_sum3A_32 = vector.multi_reduction <add>, %integer_pow3A, %reduce_sum3A_31 [0] : vector<10000x128xf32> to vector<128xf32>
    %broadcast_in_dim3A_33 = vector.shape_cast %reduce_sum3A_32 : vector<128xf32> to vector<1x128xf32>
    %div3A_34 = arith.constant 1.000000e+04 : f32
    %div3A_35 = vector.broadcast %div3A_34 : f32 to vector<1x128xf32>
    %div3A_36 = arith.divf %broadcast_in_dim3A_33, %div3A_35 : vector<1x128xf32>
    %sub3A_37 = vector.broadcast %div3A_29 : vector<1x128xf32> to vector<10000x128xf32>
    %sub3A_38 = arith.subf %add3A_26, %sub3A_37 : vector<10000x128xf32>
    %mul3A_39 = vector.broadcast %get3A_20 : vector<1x128xf32> to vector<10000x128xf32>
    %mul3A_40 = arith.mulf %mul3A_39, %sub3A_38 : vector<10000x128xf32>
    %add3A_41 = arith.constant 9.99999974E-6 : f32
    %add3A_42 = vector.broadcast %add3A_41 : f32 to vector<1x128xf32>
    %add3A_43 = arith.addf %div3A_36, %add3A_42 : vector<1x128xf32>
    %rsqrt3A = math.rsqrt %add3A_43 : vector<1x128xf32>
    %mul3A_44 = vector.broadcast %rsqrt3A : vector<1x128xf32> to vector<10000x128xf32>
    %mul3A_45 = arith.mulf %mul3A_40, %mul3A_44 : vector<10000x128xf32>
    %add3A_46 = vector.broadcast %get3A_23 : vector<1x128xf32> to vector<10000x128xf32>
    %add3A_47 = arith.addf %mul3A_45, %add3A_46 : vector<10000x128xf32>
    %max3A = arith.constant 0.000000e+00 : f32
    %max3A_48 = vector.broadcast %max3A : f32 to vector<10000x128xf32>
    %max3A_49 = arith.maximumf %add3A_47, %max3A_48 : vector<10000x128xf32>
    %get3A_50 = arith.constant 0 : index
    %get3A_51 = arith.constant 0 : index
    %get3A_52 = vector.load %arg6[%get3A_50, %get3A_51] : memref<128x128xf32, #tpu.memory_space<vmem>>, vector<128x128xf32>
    %dot_general3A = arith.constant dense<0.000000e+00> : vector<10000x128xf32>
    %dot_general3A_53 = tpu.matmul %max3A_49, %get3A_52, %dot_general3A {dimension_numbers = #tpu.dot_dimension_numbers<[1], [0], [0], [1], [0, 0, 1, 1], [], []>, transpose_lhs_hint = false} : vector<10000x128xf32>, vector<128x128xf32>, vector<10000x128xf32> -> vector<10000x128xf32>
    %mul3A_54 = vector.broadcast %get3A_1 : vector<10000x1xf32> to vector<10000x128xf32>
    %mul3A_55 = arith.mulf %mul3A_54, %dot_general3A_53 : vector<10000x128xf32>
    %swap3A = arith.constant 0 : index
    %swap3A_56 = arith.constant 0 : index
    %swap3A_57 = vector.load %arg7[%swap3A, %swap3A_56] : memref<10000x128xf32, #tpu.memory_space<vmem>>, vector<10000x128xf32>
    tpu.vector_store %arg7[%swap3A, %swap3A_56], %mul3A_55 {strides = array<i32>} : memref<10000x128xf32, #tpu.memory_space<vmem>>, vector<10000x128xf32>,
    return
  }
}

module attributes {stable_mosaic.version = 14 : i64} {
  func.func @_tc_c(%arg0: memref<2x5128x128xf32, #tpu.memory_space<vmem>>, %arg1: memref<10000x128xf32, #tpu.memory_space<vmem>>, %arg2: memref<10000x1xf32, #tpu.memory_space<vmem>>, %arg3: memref<1x128xf32, #tpu.memory_space<vmem>>, %arg4: memref<1x128xf32, #tpu.memory_space<vmem>>, %arg5: memref<1x128xf32, #tpu.memory_space<vmem>>, %arg6: memref<1x10000xi32, #tpu.memory_space<vmem>>, %arg7: memref<128x64xf32, #tpu.memory_space<vmem>>, %arg8: memref<1x64xf32, #tpu.memory_space<vmem>>, %arg9: memref<64x1xf32, #tpu.memory_space<vmem>>, %arg10: memref<1x1xf32, #tpu.memory_space<vmem>>, %arg11: memref<64x1xf32, #tpu.memory_space<vmem>>) attributes {dimension_semantics = [], scalar_prefetch = 0 : i64, scratch_operands = 0 : i64, tpu.core_type = #tpu.core_type<tc>} {
    %get3A = arith.constant 0 : index
    %get3A_0 = arith.constant 0 : index
    %get3A_1 = vector.load %arg2[%get3A, %get3A_0] : memref<10000x1xf32, #tpu.memory_space<vmem>>, vector<10000x1xf32>
    %get3A_2 = arith.constant 0 : index
    %get3A_3 = arith.constant 0 : index
    %get3A_4 = arith.constant 0 : index
    %get3A_5 = vector.load %arg0[%get3A_2, %get3A_3, %get3A_4] : memref<2x5128x128xf32, #tpu.memory_space<vmem>>, vector<1x5120x128xf32>
    %get3A_6 = vector.shape_cast %get3A_5 : vector<1x5120x128xf32> to vector<5120x128xf32>
    %get3A_7 = arith.constant 1 : index
    %get3A_8 = arith.constant 0 : index
    %get3A_9 = arith.constant 0 : index
    %get3A_10 = vector.load %arg0[%get3A_7, %get3A_8, %get3A_9] : memref<2x5128x128xf32, #tpu.memory_space<vmem>>, vector<1x4880x128xf32>
    %get3A_11 = vector.shape_cast %get3A_10 : vector<1x4880x128xf32> to vector<4880x128xf32>
    %concatenate3A = tpu.concatenate %get3A_6, %get3A_11 in 0 : vector<5120x128xf32>, vector<4880x128xf32> -> vector<10000x128xf32>
    %get3A_12 = arith.constant 0 : index
    %get3A_13 = arith.constant 0 : index
    %get3A_14 = vector.load %arg1[%get3A_12, %get3A_13] : memref<10000x128xf32, #tpu.memory_space<vmem>>, vector<10000x128xf32>
    %get3A_15 = arith.constant 0 : index
    %get3A_16 = arith.constant 0 : index
    %get3A_17 = vector.load %arg3[%get3A_15, %get3A_16] : memref<1x128xf32, #tpu.memory_space<vmem>>, vector<1x128xf32>
    %get3A_18 = arith.constant 0 : index
    %get3A_19 = arith.constant 0 : index
    %get3A_20 = vector.load %arg4[%get3A_18, %get3A_19] : memref<1x128xf32, #tpu.memory_space<vmem>>, vector<1x128xf32>
    %get3A_21 = arith.constant 0 : index
    %get3A_22 = arith.constant 0 : index
    %get3A_23 = vector.load %arg5[%get3A_21, %get3A_22] : memref<1x128xf32, #tpu.memory_space<vmem>>, vector<1x128xf32>
    %add3A = arith.addf %concatenate3A, %get3A_14 : vector<10000x128xf32>
    %mul3A = vector.broadcast %get3A_1 : vector<10000x1xf32> to vector<10000x128xf32>
    %mul3A_24 = arith.mulf %mul3A, %add3A : vector<10000x128xf32>
    %add3A_25 = vector.broadcast %get3A_17 : vector<1x128xf32> to vector<10000x128xf32>
    %add3A_26 = arith.addf %mul3A_24, %add3A_25 : vector<10000x128xf32>
    %reduce_sum3A = arith.constant dense<0.000000e+00> : vector<128xf32>
    %reduce_sum3A_27 = vector.multi_reduction <add>, %add3A_26, %reduce_sum3A [0] : vector<10000x128xf32> to vector<128xf32>
    %broadcast_in_dim3A = vector.shape_cast %reduce_sum3A_27 : vector<128xf32> to vector<1x128xf32>
    %div3A = arith.constant 1.000000e+04 : f32
    %div3A_28 = vector.broadcast %div3A : f32 to vector<1x128xf32>
    %div3A_29 = arith.divf %broadcast_in_dim3A, %div3A_28 : vector<1x128xf32>
    %sub3A = vector.broadcast %div3A_29 : vector<1x128xf32> to vector<10000x128xf32>
    %sub3A_30 = arith.subf %add3A_26, %sub3A : vector<10000x128xf32>
    %integer_pow3A = arith.mulf %sub3A_30, %sub3A_30 : vector<10000x128xf32>
    %reduce_sum3A_31 = arith.constant dense<0.000000e+00> : vector<128xf32>
    %reduce_sum3A_32 = vector.multi_reduction <add>, %integer_pow3A, %reduce_sum3A_31 [0] : vector<10000x128xf32> to vector<128xf32>
    %broadcast_in_dim3A_33 = vector.shape_cast %reduce_sum3A_32 : vector<128xf32> to vector<1x128xf32>
    %div3A_34 = arith.constant 1.000000e+04 : f32
    %div3A_35 = vector.broadcast %div3A_34 : f32 to vector<1x128xf32>
    %div3A_36 = arith.divf %broadcast_in_dim3A_33, %div3A_35 : vector<1x128xf32>
    %sub3A_37 = vector.broadcast %div3A_29 : vector<1x128xf32> to vector<10000x128xf32>
    %sub3A_38 = arith.subf %add3A_26, %sub3A_37 : vector<10000x128xf32>
    %mul3A_39 = vector.broadcast %get3A_20 : vector<1x128xf32> to vector<10000x128xf32>
    %mul3A_40 = arith.mulf %mul3A_39, %sub3A_38 : vector<10000x128xf32>
    %add3A_41 = arith.constant 9.99999974E-6 : f32
    %add3A_42 = vector.broadcast %add3A_41 : f32 to vector<1x128xf32>
    %add3A_43 = arith.addf %div3A_36, %add3A_42 : vector<1x128xf32>
    %rsqrt3A = math.rsqrt %add3A_43 : vector<1x128xf32>
    %mul3A_44 = vector.broadcast %rsqrt3A : vector<1x128xf32> to vector<10000x128xf32>
    %mul3A_45 = arith.mulf %mul3A_40, %mul3A_44 : vector<10000x128xf32>
    %add3A_46 = vector.broadcast %get3A_23 : vector<1x128xf32> to vector<10000x128xf32>
    %add3A_47 = arith.addf %mul3A_45, %add3A_46 : vector<10000x128xf32>
    %max3A = arith.constant 0.000000e+00 : f32
    %max3A_48 = vector.broadcast %max3A : f32 to vector<10000x128xf32>
    %max3A_49 = arith.maximumf %add3A_47, %max3A_48 : vector<10000x128xf32>
    %iota3A = tpu.iota {dimensions = array<i32: 0>} : vector<64x10000xi32>
    %get3A_50 = arith.constant 0 : index
    %get3A_51 = arith.constant 0 : index
    %get3A_52 = vector.load %arg6[%get3A_50, %get3A_51] : memref<1x10000xi32, #tpu.memory_space<vmem>>, vector<1x10000xi32>
    %eq3A = vector.broadcast %get3A_52 : vector<1x10000xi32> to vector<64x10000xi32>
    %eq3A_53 = arith.cmpi eq, %iota3A, %eq3A : vector<64x10000xi32>
    %convert_element_type3A = arith.extui %eq3A_53 : vector<64x10000xi1> to vector<64x10000xi32>
    %convert_element_type3A_54 = arith.sitofp %convert_element_type3A : vector<64x10000xi32> to vector<64x10000xf32>
    %reduce_sum3A_55 = arith.constant dense<0.000000e+00> : vector<64xf32>
    %reduce_sum3A_56 = vector.multi_reduction <add>, %convert_element_type3A_54, %reduce_sum3A_55 [1] : vector<64x10000xf32> to vector<64xf32>
    %broadcast_in_dim3A_57 = vector.shape_cast %reduce_sum3A_56 : vector<64xf32> to vector<64x1xf32>
    %max3A_58 = arith.constant 1.000000e+00 : f32
    %max3A_59 = vector.broadcast %max3A_58 : f32 to vector<64x1xf32>
    %max3A_60 = arith.maximumf %broadcast_in_dim3A_57, %max3A_59 : vector<64x1xf32>
    %dot_general3A = arith.constant dense<0.000000e+00> : vector<64x128xf32>
    %dot_general3A_61 = tpu.matmul %convert_element_type3A_54, %max3A_49, %dot_general3A {dimension_numbers = #tpu.dot_dimension_numbers<[1], [0], [0], [1], [0, 0, 1, 1], [], []>, transpose_lhs_hint = false} : vector<64x10000xf32>, vector<10000x128xf32>, vector<64x128xf32> -> vector<64x128xf32>
    %div3A_62 = vector.broadcast %max3A_60 : vector<64x1xf32> to vector<64x128xf32>
    %div3A_63 = arith.divf %dot_general3A_61, %div3A_62 : vector<64x128xf32>
    %get3A_64 = arith.constant 0 : index
    %get3A_65 = arith.constant 0 : index
    %get3A_66 = vector.load %arg7[%get3A_64, %get3A_65] : memref<128x64xf32, #tpu.memory_space<vmem>>, vector<128x64xf32>
    %dot_general3A_67 = arith.constant dense<0.000000e+00> : vector<64x64xf32>
    %dot_general3A_68 = tpu.matmul %div3A_63, %get3A_66, %dot_general3A_67 {dimension_numbers = #tpu.dot_dimension_numbers<[1], [0], [0], [1], [0, 0, 1, 1], [], []>, transpose_lhs_hint = false} : vector<64x128xf32>, vector<128x64xf32>, vector<64x64xf32> -> vector<64x64xf32>
    %get3A_69 = arith.constant 0 : index
    %get3A_70 = arith.constant 0 : index
    %get3A_71 = vector.load %arg8[%get3A_69, %get3A_70] : memref<1x64xf32, #tpu.memory_space<vmem>>, vector<1x64xf32>
    %add3A_72 = vector.broadcast %get3A_71 : vector<1x64xf32> to vector<64x64xf32>
    %add3A_73 = arith.addf %dot_general3A_68, %add3A_72 : vector<64x64xf32>
    %max3A_74 = arith.constant 0.000000e+00 : f32
    %max3A_75 = vector.broadcast %max3A_74 : f32 to vector<64x64xf32>
    %max3A_76 = arith.maximumf %add3A_73, %max3A_75 : vector<64x64xf32>
    %get3A_77 = arith.constant 0 : index
    %get3A_78 = arith.constant 0 : index
    %get3A_79 = vector.load %arg9[%get3A_77, %get3A_78] : memref<64x1xf32, #tpu.memory_space<vmem>>, vector<64x1xf32>
    %dot_general3A_80 = arith.constant dense<0.000000e+00> : vector<64x1xf32>
    %dot_general3A_81 = tpu.matmul %max3A_76, %get3A_79, %dot_general3A_80 {dimension_numbers = #tpu.dot_dimension_numbers<[1], [0], [0], [1], [0, 0, 1, 1], [], []>, transpose_lhs_hint = false} : vector<64x64xf32>, vector<64x1xf32>, vector<64x1xf32> -> vector<64x1xf32>
    %get3A_82 = arith.constant 0 : index
    %get3A_83 = arith.constant 0 : index
    %get3A_84 = vector.load %arg10[%get3A_82, %get3A_83] : memref<1x1xf32, #tpu.memory_space<vmem>>, vector<1x1xf32>
    %add3A_85 = vector.broadcast %get3A_84 : vector<1x1xf32> to vector<64x1xf32>
    %add3A_86 = arith.addf %dot_general3A_81, %add3A_85 : vector<64x1xf32>
    %swap3A = arith.constant 0 : index
    %swap3A_87 = arith.constant 0 : index
    %swap3A_88 = vector.load %arg11[%swap3A, %swap3A_87] : memref<64x1xf32, #tpu.memory_space<vmem>>, vector<64x1xf32>
    tpu.vector_store %arg11[%swap3A, %swap3A_87], %add3A_86 {strides = array<i32>} : memref<64x1xf32, #tpu.memory_space<vmem>>, vector<64x1xf32>,
    return
  }
}

</mosaic_0001>

<sc_bundles>
// kernel: kernel.12.cloned.1.call-start
scs
__scs_entry_jumppad:
0x0: {  	(pc) =	sbr.rel $0x88, $3  }
0x1: {  	(tag) =	ssettag $0x0;
	lr =	simm.s32 $0x1  }
0x2: {  	[smem:$0x3F92] =	sst lr;
	_ =	strace $0xD0000000  }
0x3: {  	_ = 	snop  }
0x4: {  	_ = 	snop  }
0x5: {  	_ = 	snop  }
0x6: {  	_ = 	snop  }
0x7: {  	_ = 	snop  }
__scs_overlays_trampoline_lowered:
0x8: {  	[smem:$0x3FA1] =	sst s0  }
0x9: {  	[smem:$0x3FA2] =	sst s1  }
0xa: {  	[smem:$0x3FA3] =	sst s2  }
0xb: {  	[smem:$0x3FA4] =	sst s3  }
0xc: {  	[smem:$0x3FA5] =	sst s4  }
0xd: {  	[smem:$0x3FA6] =	sst s5  }
0xe: {  	[smem:$0x3FA7] =	sst s6  }
0xf: {  	[smem:$0x3FA8] =	sst s7  }
0x10: {  	[smem:$0x3FA9] =	sst s8  }
0x11: {  	[smem:$0x3FAA] =	sst s9;
	s0 =	simm.s32 @!p0 $0x0  }
0x12: {  	s1 =	sld [smem:$0x3F90];
	s0 =	simm.s32 @p0 $0x1  }
0x13: {  	[smem:$0x3FAB] =	sst s0;
	s0 =	simm.s32 @!p1 $0x0  }
0x14: {  	s2 =	sld [smem:$0x3F8F];
	s0 =	simm.s32 @p1 $0x1  }
0x15: {  	[smem:$0x3FAC] =	sst s0;
	s0 =	simm.s32 @!p2 $0x0  }
0x16: {  	s3 =	sld [smem:$0x3FDB];
	s0 =	simm.s32 @p2 $0x1  }
0x17: {  	s4 =	simm.s32 $0x1BF5;
	[smem:$0x3FAE] =	sst s0  }
0x18: {  	s0 =	sld [smem:$0x3F91];
	_ =	swait.ge [sflag:s4], $0x0  }
0x19: {  	s7 =	sld [smem:$0x3F92]  }
0x1a: {  	s8 =	sadd.s32 $0xFFFFE003, lr  }
0x1b: {  	s9 =	sadd.s32 $0xFFFFFEF7, lr;
	s5 =	simm.s32 $0xFFFFFFFF;
	p2 =	slt.u32 s8, $0xFFFFF086  }
0x1c: {  	p1 =	slt.u32 s9, $0xF7A;
	s5 =	simm.s32 @!p2 $0x0  }
0x1d: {  	s5 =	simm.s32 @p1 $0x1;
	p0 =	seq.s32 s7, s2  }
0x1e: {  	s7 =	smul.u32 @!p0 $0xF7A, s2;
	p2 =	seq.s32 @!p0 s5, $0x0  }
0x1f: {  	s9 =	smul.u32 $0xF7A, s1;
	s8 =	simm.s32 @!p0 $0x1BF5;
	p2 =	por !p2, p0  }
0x20: {  	[sflag:s8] =	ssyncset.s32 @!p0 $0xFFFFF086;
	s6 =	sadd.s32 @!p0 s3, s7;
	s7 =	simm.s32 @!p0 $0x108  }
0x21: {  	s3 =	sadd.s32 s3, s9;
	s6 =	sadd.s32 @!p0 $0x88, s6;
	s7 =	simm.s32 @p2 $0x1082  }
0x22: {  	[simem:s7], [sflag:s8] =	dma.local @!p0 [hbm:s6], $0xF7A  }
0x23: {  	s9 =	sor.u32 $0xD0000000, s2;
	s6 =	simm.s32 $0x108;
	_ =	swait.ge @!p0 [sflag:s8], $0x0  }
0x24: {  	s3 =	sadd.s32 $0x88, s3;
	s6 =	simm.s32 @!p1 $0x1082;
	[sflag:s4] =	ssyncset.s32 $0xFFFFF086  }
0x25: {  	[simem:s6], [sflag:s4] =	dma.local [hbm:s3], $0xF7A  }
0x26: {  	[smem:$0x3F92] =	sst s1;
	(tag) =	ssettag s2;
	_ =	strace s9  }
0x27: {  	s1 =	sld [smem:$0x3FA2]  }
0x28: {  	s2 =	sld [smem:$0x3FA3]  }
0x29: {  	s4 =	sld [smem:$0x3FA5]  }
0x2a: {  	p0 =	seq.s32 s5, $0x0;
	s5 =	sld [smem:$0x3FA6]  }
0x2b: {  	s6 =	sld [smem:$0x3FA7]  }
0x2c: {  	s7 =	sld [smem:$0x3FA8]  }
0x2d: {  	s3 =	simm.s32 $0x108;
	s8 =	sld [smem:$0x3FA9]  }
0x2e: {  	s3 =	simm.s32 @!p0 $0x1082;
	s9 =	sld [smem:$0x3FAA]  }
0x2f: {  	lr =	sadd.s32 s0, s3;
	s0 =	sld [smem:$0x3FA1]  }
0x30: {  	s3 =	sld [smem:$0x3FA4]  }
0x31: {  	[smem:$0x3FAD] =	sst s10  }
0x32: {  	s10 =	sld [smem:$0x3FAB];
	_ =	sdelay $0x3  }
0x33: {  	p0 =	seq.s32 s10, $0x1;
	s10 =	sld [smem:$0x3FAD];
	_ =	sdelay $0x3  }
0x34: {  	[smem:$0x3FAD] =	sst s10  }
0x35: {  	s10 =	sld [smem:$0x3FAC];
	_ =	sdelay $0x3  }
0x36: {  	p1 =	seq.s32 s10, $0x1;
	s10 =	sld [smem:$0x3FAD];
	_ =	sdelay $0x3  }
0x37: {  	[smem:$0x3FAD] =	sst s10  }
0x38: {  	s10 =	sld [smem:$0x3FAE]  }
0x39: {  	_ = 	snop;
	(pc) =	sbr.ind lr, $3  }
0x3a: {  	_ = 	snop  }
0x3b: {  	_ = 	snop  }
0x3c: {  	p2 =	seq.s32 s10, $0x1;
	s10 =	sld [smem:$0x3FAD]  }
0x3d: {  	_ =	shalt  }
0x3e: {  	_ =	shalt  }
0x3f: {  	_ =	shalt  }
0x40: {  	_ =	shalt  }
0x41: {  	_ =	shalt  }
0x42: {  	_ =	shalt  }
0x43: {  	_ =	shalt  }
0x44: {  	_ =	shalt  }
0x45: {  	_ =	shalt  }
0x46: {  	_ =	shalt  }
0x47: {  	_ =	shalt  }
0x48: {  	_ =	shalt  }
0x49: {  	_ =	shalt  }
0x4a: {  	_ =	shalt  }
0x4b: {  	_ =	shalt  }
0x4c: {  	_ =	shalt  }
0x4d: {  	_ =	shalt  }
0x4e: {  	_ =	shalt  }
0x4f: {  	_ =	shalt  }
0x50: {  	_ =	shalt  }
0x51: {  	_ =	shalt  }
0x52: {  	_ =	shalt  }
0x53: {  	_ =	shalt  }
0x54: {  	_ =	shalt  }
0x55: {  	_ =	shalt  }
0x56: {  	_ =	shalt  }
0x57: {  	_ =	shalt  }
0x58: {  	_ =	shalt  }
0x59: {  	_ =	shalt  }
0x5a: {  	_ =	shalt  }
0x5b: {  	_ =	shalt  }
0x5c: {  	_ =	shalt  }
0x5d: {  	_ =	shalt  }
0x5e: {  	_ =	shalt  }
0x5f: {  	_ =	shalt  }
0x60: {  	_ =	shalt  }
0x61: {  	_ =	shalt  }
0x62: {  	_ =	shalt  }
0x63: {  	_ =	shalt  }
0x64: {  	_ =	shalt  }
0x65: {  	_ =	shalt  }
0x66: {  	_ =	shalt  }
0x67: {  	_ =	shalt  }
0x68: {  	_ =	shalt  }
0x69: {  	_ =	shalt  }
0x6a: {  	_ =	shalt  }
0x6b: {  	_ =	shalt  }
0x6c: {  	_ =	shalt  }
0x6d: {  	_ =	shalt  }
0x6e: {  	_ =	shalt  }
0x6f: {  	_ =	shalt  }
0x70: {  	_ =	shalt  }
0x71: {  	_ =	shalt  }
0x72: {  	_ =	shalt  }
0x73: {  	_ =	shalt  }
0x74: {  	_ =	shalt  }
0x75: {  	_ =	shalt  }
0x76: {  	_ =	shalt  }
0x77: {  	_ =	shalt  }
0x78: {  	_ =	shalt  }
0x79: {  	_ =	shalt  }
0x7a: {  	_ =	shalt  }
0x7b: {  	_ =	shalt  }
0x7c: {  	_ =	shalt  }
0x7d: {  	_ =	shalt  }
0x7e: {  	_ =	shalt  }
0x7f: {  	_ =	shalt  }
0x80: {  	_ =	shalt  }
0x81: {  	_ =	shalt  }
0x82: {  	_ =	shalt  }
0x83: {  	_ =	shalt  }
0x84: {  	_ =	shalt  }
0x85: {  	_ =	shalt  }
0x86: {  	_ =	shalt  }
0x87: {  	_ =	shalt  }
.Lfunc_end0:
.L_simem_size_0:
called_computation.1_lowered:
.L_overlay_start_0:
0x88: {  	s2 =	sld [smem:$0x3FD9]  }
0x89: {  	s3 =	sld [smem:$0x3FFE];
	_ =	sdelay $0x1  }
0x8a: {  	s1 =	srdreg.scid  }
0x8b: {  	s0 =	sand.u32 $0x1, s1  }
0x8c: {  	s16 =	sshll.u32 s0, $0xA;
	s2 =	sadd.s32 s3, s2  }
0x8d: {  	s2 =	sadd.s32 s2, s16  }
0x8e: {  	[smem:$0x3FB9] =	sst s2  }
0x8f: {  	_ = 	snop  }
0x90: {  	(tm) =	ssettm $0x1  }
0x91: {  	s17 =	sld [smem:$0x3FFB];
	_ =	sdelay $0x3  }
0x92: {  	_ =	strace s17  }
0x93: {  	s2 =	sld [smem:$0x3FFC];
	_ =	sdelay $0x3  }
0x94: {  	_ =	strace s2  }
0x95: {  	s2 =	sld [smem:$0x3FFD];
	_ =	sdelay $0x3  }
0x96: {  	_ =	strace s2  }
0x97: {  	_ =	strace $0x8FFFFFFF  }
0x98: {  	s18 =	sld [smem:$0x3FDB];
	_ =	sdelay $0x1  }
0x99: {  	s19 =	simm.s32 $_scs_section_size  }
0x9a: {  	s4 =	simm.s32 $_size__tile_overlayer_lowered;
	s5 =	simm.s32 $_tile_overlayer_lowered  }
0x9b: {  	s22 =	simm.s32 $0x1BFF;
	s21 =	sshll.u32 s5, $0x1;
	s2 =	sadd.s32 s19, s18  }
0x9c: {  	s6 =	simm.s32 $0x0;
	s20 =	sshll.u32 s4, $0x1;
	s4 =	sadd.s32 s21, s2  }
0x9d: {  	[timem:s6], [sflag:s22] =	dma.local [hbm:s4], s20  }
0x9e: {  	_ =	swait.ge [sflag:s22], s20  }
0x9f: {  	s3 =	ssub.s32 $0x0, s20;
	[sflag:s22] =	ssyncset.done $0x0  }
0xa0: {  	[sflag:s22] =	ssyncadd.s32 s3;
	_ =	sdelay $0x1  }
0xa1: {  	s23 =	simm.s32 $0x1B8B  }
0xa2: {  	_ =	swait.ge [sflag:s23], $0x1  }
0xa3: {  	[sflag:s23] =	ssyncset.done $0x0  }
0xa4: {  	s25 =	simm.s32 $0x1B8E;
	s24 =	sld [smem:$0x3FFE];
	[sflag:s23] =	ssyncadd.s32 $0xFFFFFFFF  }
0xa5: {  	s26 =	simm.s32 $execute0_lowered;
	[smem:$0x3FD2] =	sst s25  }
0xa6: {  	s4 =	sshll.u32 s26, $0x1;
	_ =	strace $0x80000049;
	[dreg:$0x1] =	wrdreg $0xFFFFFFFF  }
0xa7: {  	s28 =	simm.s32 $_size_execute0_lowered;
	s2 =	sadd.s32 s2, s4;
	[dreg:$0x0] =	wrdreg $0x0  }
0xa8: {  	s4 =	sshll.u32 s28, $0x1;
	[dreg:$0x2] =	wrdreg s2  }
0xa9: {  	[dreg:$0x3] =	wrdreg s4  }
0xaa: {  	[dreg:$0x4] =	wrdreg $0xC0  }
0xab: {  	_ =	task [dreg:s6], $0x5FFFF  }
0xac: {  	[dreg:$0x1] =	wrdreg $0xFFFFFFFF  }
0xad: {  	[dreg:$0x0] =	wrdreg $0x60  }
0xae: {  	[dreg:$0x2] =	wrdreg s24  }
0xaf: {  	[dreg:$0x3] =	wrdreg $0x150000  }
0xb0: {  	[dreg:$0x4] =	wrdreg $0x9  }
0xb1: {  	_ =	task.clear_ibuf [dreg:s6], $0x5FFFF;
	_ =	strace $0x90000049  }
0xb2: {  	s29 =	simm.s32 $0x9;
	_ =	strace $0x8000004B  }
0xb3: {  	_ =	swait.ge [sflag:s29], $0x1  }
0xb4: {  	[sflag:s29] =	ssyncadd.s32 $0xFFFFFFFF  }
0xb5: {  	_ =	strace $0x9000004B  }
0xb6: {  	_ =	sfence  }
0xb7: {  	s30 =	sld [smem:$0x0];
	_ =	sdelay $0x2  }
0xb8: {  	s31 =	sshll.u32 s1, $0xD;
	s1 =	sshrl.u32 s1, $0x2  }
0xb9: {  	s3 =	sand.u32 $0x4000, s31;
	s1 =	sadd.s32 s1, s30  }
0xba: {  	s0 =	sor.u32 s3, s0;
	s1 =	sshll.u32 s1, $0x11  }
0xbb: {  	s0 =	sor.u32 s1, s0  }
0xbc: {  	s0 =	sadd.s32 $0x8F2B, s0  }
0xbd: {  	[sflag:s0] =	ssyncadd.remote.s32 $0x1  }
0xbe: {  	_ =	sfence.sel $0xFFFF  }
0xbf: {  	[dreg:$0x0] =	wrdreg $0xFFFFFFFF;
	(pc) =	sbr.abs _section_cstart, $3  }
0xc0: {  	[dreg:$0x1] =	wrdreg $0xFFFFFFFF  }
0xc1: {  	_ =	task.clear_ibuf [dreg:s6], $0x2FFFF;
	_ =	strace $0x9FFFFFFF  }
0xc2: {  	(tm) =	ssettm $0x7FFFFFFF  }
0xc3: {  	_ =	shalt  }
tec
execute0_lowered:
.L_overlay_start_1:
0x0: {  	(tag) =	ssettag $0x1  }
0x1: {  	s5 =	rddreg [dreg:$0x0]  }
0x2: {  	s1 =	rddreg [dreg:$0x1]  }
0x3: {  	s2 =	simm.s32 $0x0;
	s8 =	stileid.u32;
	s3 =	srdreg.scid  }
0x4: {  	s11 =	simm.s32 $0x8000;
	s12 =	simm.s32 $0x50;
	s13 =	simm.s32 $0x10000  }
0x5: {  	s14 =	simm.s32 $0x12800;
	s15 =	simm.s32 $0x1;
	s16 =	simm.s32 $0x10800  }
0x6: {  	s17 =	simm.s32 $0x11000;
	s18 =	simm.s32 $0x11800;
	s19 =	simm.s32 $0x12000  }
0x7: {  	s20 =	simm.s32 $0x3;
	s21 =	simm.s32 $0x2;
	s22 =	simm.s32 $0x13000  }
0x8: {  	s23 =	simm.s32 $0x13800;
	s24 =	simm.s32 $0x14000;
	s25 =	simm.s32 $0x14800  }
0x9: {  	s26 =	simm.s32 $0x4;
	s28 =	simm.s32 $0x7C80;
	s29 =	simm.s32 $0x0  }
0xa: {  	[smem:$0x7FF] =	sst s2;
	s4 =	sshll.u32 s8, $0xC;
	s6 =	sand.u32 $0x1, s3  }
0xb: {  	s3 =	sadd.s32 $0x47800, s5;
	p0 =	sne.s32 s8, $0x0;
	_ =	strace $0x8000004A  }
0xc: {  	s7 =	sadd.s32 s4, s5;
	s9 =	smul.u32 $0x14080, s6;
	s10 =	ssub.s32 $0x2, s6  }
0xd: {  	s4 =	sadd.s32 $0x33600, s5;
	s6 =	sshll.u32 s6, $0x10;
	s31 =	sshrl.u32 s10, $0x1  }
0xe: {  	s6 =	sadd.s32 s6, s7;
	s9 =	sadd.s32 s9, s5;
	s10 =	ssub.s32 s10, s31  }
0xf: {  	s5 =	sadd.s32 $0x23600, s7;
	s6 =	sadd.s32 $0x3600, s6;
	s7 =	sadd.s32 $0x6EA00, s9  }
0x10: {  	vm0 =	vmmov $0xffff;
	s8 =	smax.u32 s10, $0x1;
	s9 =	sshrl.u32 @!p0 s1, $0x3;
	s10 =	simm.s32 $0x5  }
.LBB2_1:
0x11: {  	s30 =	simm.s32 @!p0 $0x1C05  }
0x12: {  	[spmem:s9], [sflag:s30] =	dma.local @!p0 [hbm:s4], $0x14080  }
0x13: {  	s30 =	simm.s32 @!p0 $0x5  }
0x14: {  	_ =	swait.ge @!p0 [sflag:s30], $0x14080  }
0x15: {  	[sflag:s30] =	ssyncset.done @!p0 $0x0  }
0x16: {  	[sflag:s30] =	ssyncadd.s32 @!p0 $0xFFFEBF80  }
0x17: {  	[bflag:$0x0] =	sbarrier.arrive $0xFFFF  }
0x18: {  	[tilespmem:s2], [sflag:$0x5] =	stream.linear.gather [hbm4b:s5+s2], $0x7D00, $0x38;
	[tilespmem:$0x1F040] =	vst v63  }
0x19: {  	_ =	swait.ge [sflag:s10], $0x7D00  }
0x1a: {  	[sflag:s10] =	ssyncset.done $0x0  }
0x1b: {  	[sflag:s10] =	ssyncadd.s32 $0xFFFF8300  }
0x1c: {  	[tilespmem:s11], [sflag:$0x5] =	stream.linear.gather [hbm4b:s6+s2], $0x7D00, $0x38;
	[tilespmem:$0x1F040] =	vst v63  }
0x1d: {  	_ =	swait.ge [sflag:s10], $0x7D00  }
0x1e: {  	[sflag:s10] =	ssyncset.done $0x0  }
0x1f: {  	s30 =	simm.s32 $0x0;
	[sflag:s10] =	ssyncadd.s32 $0xFFFF8300  }
0x20: {  	[tilespmem:s13], [sflag:$0x1] =	stream.indirect.gather [hbm4b:s3+s12], $0x80, s2, s12, $0xb8;
	[tilespmem:$0x1F040] =	vst v63  }
.LBB2_2:
0x21: {  	s31 =	sshra.s32 s30, $0x2  }
0x22: {  	s0 =	sadd.s32 $0x80, s31  }
0x23: {  	[tilespmem:s14], [sflag:$0x2] =	stream.indirect.gather [hbm4b:s3+s12], $0x80, s0, s12, $0xb8;
	[tilespmem:$0x1F040] =	vst v63  }
0x24: {  	_ =	swait.ge [sflag:s15], $0x2800  }
0x25: {  	[sflag:s15] =	ssyncset.done $0x0  }
0x26: {  	[sflag:s15] =	ssyncadd.s32 $0xFFFFD800  }
0x27: {  	v0 =	vld [tilespmem:s31+$0x8000];
	_ =	sdelay $0x7  }
0x28: {  	[spmem:s1] =	stream.indirect_vreg.scatter.add.f32 [tilespmem:s13], [sflag:$0x3], $0x80, v0, vm0, $0xb8;
	[tilespmem:$0x1F040] =	vst v63  }
0x29: {  	v0 =	vld [tilespmem:s31+$0x8010];
	_ =	sdelay $0x7  }
0x2a: {  	[spmem:s1] =	stream.indirect_vreg.scatter.add.f32 [tilespmem:s16], [sflag:$0x3], $0x80, v0, vm0, $0xb8;
	[tilespmem:$0x1F040] =	vst v63  }
0x2b: {  	v0 =	vld [tilespmem:s31+$0x8020];
	_ =	sdelay $0x7  }
0x2c: {  	[spmem:s1] =	stream.indirect_vreg.scatter.add.f32 [tilespmem:s17], [sflag:$0x3], $0x80, v0, vm0, $0xb8;
	[tilespmem:$0x1F040] =	vst v63  }
0x2d: {  	v0 =	vld [tilespmem:s31+$0x8030];
	_ =	sdelay $0x7  }
0x2e: {  	[spmem:s1] =	stream.indirect_vreg.scatter.add.f32 [tilespmem:s18], [sflag:$0x3], $0x80, v0, vm0, $0xb8;
	[tilespmem:$0x1F040] =	vst v63  }
0x2f: {  	v0 =	vld [tilespmem:s31+$0x8040];
	_ =	sdelay $0x7  }
0x30: {  	[spmem:s1] =	stream.indirect_vreg.scatter.add.f32 [tilespmem:s19], [sflag:$0x3], $0x80, v0, vm0, $0xb8;
	[tilespmem:$0x1F040] =	vst v63  }
0x31: {  	_ =	swait.ge [sflag:s20], $0x800  }
0x32: {  	[sflag:s20] =	ssyncset.done $0x0  }
0x33: {  	[sflag:s20] =	ssyncadd.s32 $0xFFFFF800  }
0x34: {  	_ =	swait.ge [sflag:s20], $0x800  }
0x35: {  	[sflag:s20] =	ssyncset.done $0x0  }
0x36: {  	[sflag:s20] =	ssyncadd.s32 $0xFFFFF800  }
0x37: {  	_ =	swait.ge [sflag:s20], $0x800  }
0x38: {  	[sflag:s20] =	ssyncset.done $0x0  }
0x39: {  	[sflag:s20] =	ssyncadd.s32 $0xFFFFF800  }
0x3a: {  	_ =	swait.ge [sflag:s20], $0x800  }
0x3b: {  	[sflag:s20] =	ssyncset.done $0x0  }
0x3c: {  	[sflag:s20] =	ssyncadd.s32 $0xFFFFF800  }
0x3d: {  	_ =	swait.ge [sflag:s20], $0x800  }
0x3e: {  	[sflag:s20] =	ssyncset.done $0x0  }
0x3f: {  	s0 =	sadd.s32 $0x100, s31;
	[sflag:s20] =	ssyncadd.s32 $0xFFFFF800  }
0x40: {  	[tilespmem:s13], [sflag:$0x1] =	stream.indirect.gather [hbm4b:s3+s12], $0x80, s0, s12, $0xb8;
	[tilespmem:$0x1F040] =	vst v63  }
0x41: {  	_ =	swait.ge [sflag:s21], $0x2800  }
0x42: {  	[sflag:s21] =	ssyncset.done $0x0  }
0x43: {  	[sflag:s21] =	ssyncadd.s32 $0xFFFFD800  }
0x44: {  	v63 =	vld [tilespmem:s31+$0x8080];
	_ =	sdelay $0x7  }
0x45: {  	[spmem:s1] =	stream.indirect_vreg.scatter.add.f32 [tilespmem:s14], [sflag:$0x4], $0x80, v63, vm0, $0xb8;
	[tilespmem:$0x1F040] =	vst v63  }
0x46: {  	v0 =	vld [tilespmem:s31+$0x8090];
	_ =	sdelay $0x7  }
0x47: {  	[spmem:s1] =	stream.indirect_vreg.scatter.add.f32 [tilespmem:s22], [sflag:$0x4], $0x80, v0, vm0, $0xb8;
	[tilespmem:$0x1F040] =	vst v63  }
0x48: {  	v0 =	vld [tilespmem:s31+$0x80A0];
	_ =	sdelay $0x7  }
0x49: {  	[spmem:s1] =	stream.indirect_vreg.scatter.add.f32 [tilespmem:s23], [sflag:$0x4], $0x80, v0, vm0, $0xb8;
	[tilespmem:$0x1F040] =	vst v63  }
0x4a: {  	v0 =	vld [tilespmem:s31+$0x80B0];
	_ =	sdelay $0x7  }
0x4b: {  	[spmem:s1] =	stream.indirect_vreg.scatter.add.f32 [tilespmem:s24], [sflag:$0x4], $0x80, v0, vm0, $0xb8;
	[tilespmem:$0x1F040] =	vst v63  }
0x4c: {  	v0 =	vld [tilespmem:s31+$0x80C0];
	_ =	sdelay $0x7  }
0x4d: {  	[spmem:s1] =	stream.indirect_vreg.scatter.add.f32 [tilespmem:s25], [sflag:$0x4], $0x80, v0, vm0, $0xb8;
	[tilespmem:$0x1F040] =	vst v63  }
0x4e: {  	_ =	swait.ge [sflag:s26], $0x800  }
0x4f: {  	[sflag:s26] =	ssyncset.done $0x0  }
0x50: {  	[sflag:s26] =	ssyncadd.s32 $0xFFFFF800  }
0x51: {  	_ =	swait.ge [sflag:s26], $0x800  }
0x52: {  	[sflag:s26] =	ssyncset.done $0x0  }
0x53: {  	[sflag:s26] =	ssyncadd.s32 $0xFFFFF800  }
0x54: {  	_ =	swait.ge [sflag:s26], $0x800  }
0x55: {  	[sflag:s26] =	ssyncset.done $0x0  }
0x56: {  	[sflag:s26] =	ssyncadd.s32 $0xFFFFF800  }
0x57: {  	p1 =	sne.s32 s30, $0x1EC00;
	_ =	swait.ge [sflag:s26], $0x800  }
.Ltmp0:
0x58: {  	[sflag:s26] =	ssyncset.done $0x0;
	(pc) =	sbr.rel @p1 .LBB2_2-.Ltmp0, $4  }
0x59: {  	[sflag:s26] =	ssyncadd.s32 $0xFFFFF800  }
0x5a: {  	_ =	swait.ge [sflag:s26], $0x800  }
0x5b: {  	[sflag:s26] =	ssyncset.done $0x0  }
0x5c: {  	s30 =	sadd.s32 $0x400, s30;
	[sflag:s26] =	ssyncadd.s32 $0xFFFFF800  }
0x5d: {  	[tilespmem:s14], [sflag:$0x2] =	stream.indirect.gather [hbm4b:s3+s12], $0x80, s28, s12, $0xb8;
	[tilespmem:$0x1F040] =	vst v63  }
0x5e: {  	_ =	swait.ge [sflag:s15], $0x2800  }
0x5f: {  	[sflag:s15] =	ssyncset.done $0x0  }
0x60: {  	[sflag:s15] =	ssyncadd.s32 $0xFFFFD800  }
0x61: {  	v0 =	vld [tilespmem:$0xFC00];
	_ =	sdelay $0x7  }
0x62: {  	[spmem:s1] =	stream.indirect_vreg.scatter.add.f32 [tilespmem:s13], [sflag:$0x3], $0x80, v0, vm0, $0xb8;
	[tilespmem:$0x1F040] =	vst v63  }
0x63: {  	v0 =	vld [tilespmem:$0xFC10];
	_ =	sdelay $0x7  }
0x64: {  	[spmem:s1] =	stream.indirect_vreg.scatter.add.f32 [tilespmem:s16], [sflag:$0x3], $0x80, v0, vm0, $0xb8;
	[tilespmem:$0x1F040] =	vst v63  }
0x65: {  	v0 =	vld [tilespmem:$0xFC20];
	_ =	sdelay $0x7  }
0x66: {  	[spmem:s1] =	stream.indirect_vreg.scatter.add.f32 [tilespmem:s17], [sflag:$0x3], $0x80, v0, vm0, $0xb8;
	[tilespmem:$0x1F040] =	vst v63  }
0x67: {  	v0 =	vld [tilespmem:$0xFC30];
	_ =	sdelay $0x7  }
0x68: {  	[spmem:s1] =	stream.indirect_vreg.scatter.add.f32 [tilespmem:s18], [sflag:$0x3], $0x80, v0, vm0, $0xb8;
	[tilespmem:$0x1F040] =	vst v63  }
0x69: {  	v0 =	vld [tilespmem:$0xFC40];
	_ =	sdelay $0x7  }
0x6a: {  	[spmem:s1] =	stream.indirect_vreg.scatter.add.f32 [tilespmem:s19], [sflag:$0x3], $0x80, v0, vm0, $0xb8;
	[tilespmem:$0x1F040] =	vst v63  }
0x6b: {  	_ =	swait.ge [sflag:s20], $0x800  }
0x6c: {  	[sflag:s20] =	ssyncset.done $0x0  }
0x6d: {  	[sflag:s20] =	ssyncadd.s32 $0xFFFFF800  }
0x6e: {  	_ =	swait.ge [sflag:s20], $0x800  }
0x6f: {  	[sflag:s20] =	ssyncset.done $0x0  }
0x70: {  	[sflag:s20] =	ssyncadd.s32 $0xFFFFF800  }
0x71: {  	_ =	swait.ge [sflag:s20], $0x800  }
0x72: {  	[sflag:s20] =	ssyncset.done $0x0  }
0x73: {  	[sflag:s20] =	ssyncadd.s32 $0xFFFFF800  }
0x74: {  	_ =	swait.ge [sflag:s20], $0x800  }
0x75: {  	[sflag:s20] =	ssyncset.done $0x0  }
0x76: {  	[sflag:s20] =	ssyncadd.s32 $0xFFFFF800  }
0x77: {  	_ =	swait.ge [sflag:s20], $0x800  }
0x78: {  	[sflag:s20] =	ssyncset.done $0x0  }
0x79: {  	[sflag:s20] =	ssyncadd.s32 $0xFFFFF800  }
0x7a: {  	_ =	swait.ge [sflag:s21], $0x2800  }
0x7b: {  	[sflag:s21] =	ssyncset.done $0x0  }
0x7c: {  	[sflag:s21] =	ssyncadd.s32 $0xFFFFD800  }
0x7d: {  	v63 =	vld [tilespmem:$0xFC80];
	_ =	sdelay $0x7  }
0x7e: {  	[spmem:s1] =	stream.indirect_vreg.scatter.add.f32 [tilespmem:s14], [sflag:$0x4], $0x80, v63, vm0, $0xb8;
	[tilespmem:$0x1F040] =	vst v63  }
0x7f: {  	v0 =	vld [tilespmem:$0xFC90];
	_ =	sdelay $0x7  }
0x80: {  	[spmem:s1] =	stream.indirect_vreg.scatter.add.f32 [tilespmem:s22], [sflag:$0x4], $0x80, v0, vm0, $0xb8;
	[tilespmem:$0x1F040] =	vst v63  }
0x81: {  	v0 =	vld [tilespmem:$0xFCA0];
	_ =	sdelay $0x7  }
0x82: {  	[spmem:s1] =	stream.indirect_vreg.scatter.add.f32 [tilespmem:s23], [sflag:$0x4], $0x80, v0, vm0, $0xb8;
	[tilespmem:$0x1F040] =	vst v63  }
0x83: {  	v0 =	vld [tilespmem:$0xFCB0];
	_ =	sdelay $0x7  }
0x84: {  	[spmem:s1] =	stream.indirect_vreg.scatter.add.f32 [tilespmem:s24], [sflag:$0x4], $0x80, v0, vm0, $0xb8;
	[tilespmem:$0x1F040] =	vst v63  }
0x85: {  	v0 =	vld [tilespmem:$0xFCC0];
	_ =	sdelay $0x7  }
0x86: {  	[spmem:s1] =	stream.indirect_vreg.scatter.add.f32 [tilespmem:s25], [sflag:$0x4], $0x80, v0, vm0, $0xb8;
	[tilespmem:$0x1F040] =	vst v63  }
0x87: {  	_ =	swait.ge [sflag:s26], $0x800  }
0x88: {  	[sflag:s26] =	ssyncset.done $0x0  }
0x89: {  	[sflag:s26] =	ssyncadd.s32 $0xFFFFF800  }
0x8a: {  	_ =	swait.ge [sflag:s26], $0x800  }
0x8b: {  	[sflag:s26] =	ssyncset.done $0x0  }
0x8c: {  	[sflag:s26] =	ssyncadd.s32 $0xFFFFF800  }
0x8d: {  	_ =	swait.ge [sflag:s26], $0x800  }
0x8e: {  	[sflag:s26] =	ssyncset.done $0x0  }
0x8f: {  	[sflag:s26] =	ssyncadd.s32 $0xFFFFF800  }
0x90: {  	_ =	swait.ge [sflag:s26], $0x800  }
0x91: {  	[sflag:s26] =	ssyncset.done $0x0  }
0x92: {  	[sflag:s26] =	ssyncadd.s32 $0xFFFFF800  }
0x93: {  	_ =	swait.ge [sflag:s26], $0x800  }
0x94: {  	[sflag:s26] =	ssyncset.done $0x0  }
0x95: {  	s29 =	sadd.s32 $0x1, s29;
	[sflag:s26] =	ssyncadd.s32 $0xFFFFF800  }
0x96: {  	s0 =	simm.s32 @!p0 $0x1C05;
	p1 =	sne.s32 s29, s8;
	[bflag:$0x0] =	sbarrier.arrive $0xFFFF  }
0x97: {  	[hbm:s7], [sflag:s0] =	dma.local @!p0 [spmem:s9], $0x14080  }
.Ltmp1:
0x98: {  	_ = 	snop;
	(pc) =	sbr.rel @p1 .LBB2_1-.Ltmp1, $4  }
0x99: {  	s0 =	simm.s32 @!p0 $0x5  }
0x9a: {  	_ =	swait.ge @!p0 [sflag:s0], $0x14080  }
0x9b: {  	[sflag:s0] =	ssyncset.done @!p0 $0x0  }
0x9c: {  	[sflag:s0] =	ssyncadd.s32 @!p0 $0xFFFEBF80  }
0x9d: {  	_ =	sfence.sel $0x180000  }
0x9e: {  	[bflag:$0x0] =	sbarrier.arrive $0xFFFF  }
0x9f: {  	_ =	strace $0x9000004A  }
0xa0: {  	[bflag:$0x2] =	sbarrier.arrive $0xFFFF  }
0xa1: {  	s0 =	rddreg [dreg:$0x2]  }
0xa2: {  	s0 =	sadd.s32 @!p0 $0x100000, s0  }
0xa3: {  	[sflag:s0] =	ssyncadd.tile.s32 @!p0 $0x1;
	_ =	shalt  }
.Lfunc_end2:
_tile_overlayer_lowered:
.L_overlay_start_2:
0xa4: {  	(tag) =	ssettag $0x2  }
0xa5: {  	s0 =	rddreg [dreg:$0x0];
	s2 =	stileid.u32  }
0xa6: {  	s1 =	rddreg [dreg:$0x1];
	p0 =	sne.s32 s2, $0x0  }
0xa7: {  	s3 =	rddreg [dreg:$0x2];
	[bflag:$0x3] =	sbarrier.arrive $0xFFFF;
	s2 =	simm.s32 @!p0 $0x1C05  }
0xa8: {  	[timem:s3], [sflag:s2] =	dma.local @!p0 [hbm:s0], s1  }
0xa9: {  	s0 =	simm.s32 @!p0 $0x5  }
0xaa: {  	_ =	swait.ge @!p0 [sflag:s0], s1  }
0xab: {  	s1 =	ssub.s32 @!p0 $0x0, s1;
	[sflag:s0] =	ssyncset.done @!p0 $0x0  }
0xac: {  	[sflag:s0] =	ssyncadd.s32 @!p0 s1  }
0xad: {  	[bflag:$0x3] =	sbarrier.arrive $0xFFFF  }
0xae: {  	_ =	shalt  }

// kernel: kernel.15.cloned.1.call-start
scs
__scs_entry_jumppad:
0x0: {  	(pc) =	sbr.rel $0x88, $3  }
0x1: {  	(tag) =	ssettag $0x0;
	lr =	simm.s32 $0x1  }
0x2: {  	[smem:$0x3F92] =	sst lr;
	_ =	strace $0xD0000000  }
0x3: {  	_ = 	snop  }
0x4: {  	_ = 	snop  }
0x5: {  	_ = 	snop  }
0x6: {  	_ = 	snop  }
0x7: {  	_ = 	snop  }
__scs_overlays_trampoline_lowered:
0x8: {  	[smem:$0x3FA1] =	sst s0  }
0x9: {  	[smem:$0x3FA2] =	sst s1  }
0xa: {  	[smem:$0x3FA3] =	sst s2  }
0xb: {  	[smem:$0x3FA4] =	sst s3  }
0xc: {  	[smem:$0x3FA5] =	sst s4  }
0xd: {  	[smem:$0x3FA6] =	sst s5  }
0xe: {  	[smem:$0x3FA7] =	sst s6  }
0xf: {  	[smem:$0x3FA8] =	sst s7  }
0x10: {  	[smem:$0x3FA9] =	sst s8  }
0x11: {  	[smem:$0x3FAA] =	sst s9;
	s0 =	simm.s32 @!p0 $0x0  }
0x12: {  	s1 =	sld [smem:$0x3F90];
	s0 =	simm.s32 @p0 $0x1  }
0x13: {  	[smem:$0x3FAB] =	sst s0;
	s0 =	simm.s32 @!p1 $0x0  }
0x14: {  	s2 =	sld [smem:$0x3F8F];
	s0 =	simm.s32 @p1 $0x1  }
0x15: {  	[smem:$0x3FAC] =	sst s0;
	s0 =	simm.s32 @!p2 $0x0  }
0x16: {  	s3 =	sld [smem:$0x3FDB];
	s0 =	simm.s32 @p2 $0x1  }
0x17: {  	s4 =	simm.s32 $0x1BF5;
	[smem:$0x3FAE] =	sst s0  }
0x18: {  	s0 =	sld [smem:$0x3F91];
	_ =	swait.ge [sflag:s4], $0x0  }
0x19: {  	s7 =	sld [smem:$0x3F92]  }
0x1a: {  	s8 =	sadd.s32 $0xFFFFE003, lr  }
0x1b: {  	s9 =	sadd.s32 $0xFFFFFEF7, lr;
	s5 =	simm.s32 $0xFFFFFFFF;
	p2 =	slt.u32 s8, $0xFFFFF086  }
0x1c: {  	p1 =	slt.u32 s9, $0xF7A;
	s5 =	simm.s32 @!p2 $0x0  }
0x1d: {  	s5 =	simm.s32 @p1 $0x1;
	p0 =	seq.s32 s7, s2  }
0x1e: {  	s7 =	smul.u32 @!p0 $0xF7A, s2;
	p2 =	seq.s32 @!p0 s5, $0x0  }
0x1f: {  	s9 =	smul.u32 $0xF7A, s1;
	s8 =	simm.s32 @!p0 $0x1BF5;
	p2 =	por !p2, p0  }
0x20: {  	[sflag:s8] =	ssyncset.s32 @!p0 $0xFFFFF086;
	s6 =	sadd.s32 @!p0 s3, s7;
	s7 =	simm.s32 @!p0 $0x108  }
0x21: {  	s3 =	sadd.s32 s3, s9;
	s6 =	sadd.s32 @!p0 $0x88, s6;
	s7 =	simm.s32 @p2 $0x1082  }
0x22: {  	[simem:s7], [sflag:s8] =	dma.local @!p0 [hbm:s6], $0xF7A  }
0x23: {  	s9 =	sor.u32 $0xD0000000, s2;
	s6 =	simm.s32 $0x108;
	_ =	swait.ge @!p0 [sflag:s8], $0x0  }
0x24: {  	s3 =	sadd.s32 $0x88, s3;
	s6 =	simm.s32 @!p1 $0x1082;
	[sflag:s4] =	ssyncset.s32 $0xFFFFF086  }
0x25: {  	[simem:s6], [sflag:s4] =	dma.local [hbm:s3], $0xF7A  }
0x26: {  	[smem:$0x3F92] =	sst s1;
	(tag) =	ssettag s2;
	_ =	strace s9  }
0x27: {  	s1 =	sld [smem:$0x3FA2]  }
0x28: {  	s2 =	sld [smem:$0x3FA3]  }
0x29: {  	s4 =	sld [smem:$0x3FA5]  }
0x2a: {  	p0 =	seq.s32 s5, $0x0;
	s5 =	sld [smem:$0x3FA6]  }
0x2b: {  	s6 =	sld [smem:$0x3FA7]  }
0x2c: {  	s7 =	sld [smem:$0x3FA8]  }
0x2d: {  	s3 =	simm.s32 $0x108;
	s8 =	sld [smem:$0x3FA9]  }
0x2e: {  	s3 =	simm.s32 @!p0 $0x1082;
	s9 =	sld [smem:$0x3FAA]  }
0x2f: {  	lr =	sadd.s32 s0, s3;
	s0 =	sld [smem:$0x3FA1]  }
0x30: {  	s3 =	sld [smem:$0x3FA4]  }
0x31: {  	[smem:$0x3FAD] =	sst s10  }
0x32: {  	s10 =	sld [smem:$0x3FAB];
	_ =	sdelay $0x3  }
0x33: {  	p0 =	seq.s32 s10, $0x1;
	s10 =	sld [smem:$0x3FAD];
	_ =	sdelay $0x3  }
0x34: {  	[smem:$0x3FAD] =	sst s10  }
0x35: {  	s10 =	sld [smem:$0x3FAC];
	_ =	sdelay $0x3  }
0x36: {  	p1 =	seq.s32 s10, $0x1;
	s10 =	sld [smem:$0x3FAD];
	_ =	sdelay $0x3  }
0x37: {  	[smem:$0x3FAD] =	sst s10  }
0x38: {  	s10 =	sld [smem:$0x3FAE]  }
0x39: {  	_ = 	snop;
	(pc) =	sbr.ind lr, $3  }
0x3a: {  	_ = 	snop  }
0x3b: {  	_ = 	snop  }
0x3c: {  	p2 =	seq.s32 s10, $0x1;
	s10 =	sld [smem:$0x3FAD]  }
0x3d: {  	_ =	shalt  }
0x3e: {  	_ =	shalt  }
0x3f: {  	_ =	shalt  }
0x40: {  	_ =	shalt  }
0x41: {  	_ =	shalt  }
0x42: {  	_ =	shalt  }
0x43: {  	_ =	shalt  }
0x44: {  	_ =	shalt  }
0x45: {  	_ =	shalt  }
0x46: {  	_ =	shalt  }
0x47: {  	_ =	shalt  }
0x48: {  	_ =	shalt  }
0x49: {  	_ =	shalt  }
0x4a: {  	_ =	shalt  }
0x4b: {  	_ =	shalt  }
0x4c: {  	_ =	shalt  }
0x4d: {  	_ =	shalt  }
0x4e: {  	_ =	shalt  }
0x4f: {  	_ =	shalt  }
0x50: {  	_ =	shalt  }
0x51: {  	_ =	shalt  }
0x52: {  	_ =	shalt  }
0x53: {  	_ =	shalt  }
0x54: {  	_ =	shalt  }
0x55: {  	_ =	shalt  }
0x56: {  	_ =	shalt  }
0x57: {  	_ =	shalt  }
0x58: {  	_ =	shalt  }
0x59: {  	_ =	shalt  }
0x5a: {  	_ =	shalt  }
0x5b: {  	_ =	shalt  }
0x5c: {  	_ =	shalt  }
0x5d: {  	_ =	shalt  }
0x5e: {  	_ =	shalt  }
0x5f: {  	_ =	shalt  }
0x60: {  	_ =	shalt  }
0x61: {  	_ =	shalt  }
0x62: {  	_ =	shalt  }
0x63: {  	_ =	shalt  }
0x64: {  	_ =	shalt  }
0x65: {  	_ =	shalt  }
0x66: {  	_ =	shalt  }
0x67: {  	_ =	shalt  }
0x68: {  	_ =	shalt  }
0x69: {  	_ =	shalt  }
0x6a: {  	_ =	shalt  }
0x6b: {  	_ =	shalt  }
0x6c: {  	_ =	shalt  }
0x6d: {  	_ =	shalt  }
0x6e: {  	_ =	shalt  }
0x6f: {  	_ =	shalt  }
0x70: {  	_ =	shalt  }
0x71: {  	_ =	shalt  }
0x72: {  	_ =	shalt  }
0x73: {  	_ =	shalt  }
0x74: {  	_ =	shalt  }
0x75: {  	_ =	shalt  }
0x76: {  	_ =	shalt  }
0x77: {  	_ =	shalt  }
0x78: {  	_ =	shalt  }
0x79: {  	_ =	shalt  }
0x7a: {  	_ =	shalt  }
0x7b: {  	_ =	shalt  }
0x7c: {  	_ =	shalt  }
0x7d: {  	_ =	shalt  }
0x7e: {  	_ =	shalt  }
0x7f: {  	_ =	shalt  }
0x80: {  	_ =	shalt  }
0x81: {  	_ =	shalt  }
0x82: {  	_ =	shalt  }
0x83: {  	_ =	shalt  }
0x84: {  	_ =	shalt  }
0x85: {  	_ =	shalt  }
0x86: {  	_ =	shalt  }
0x87: {  	_ =	shalt  }
.Lfunc_end0:
.L_simem_size_0:
called_computation.2_lowered:
.L_overlay_start_0:
0x88: {  	s2 =	sld [smem:$0x3FD9]  }
0x89: {  	s3 =	sld [smem:$0x3FFE];
	_ =	sdelay $0x1  }
0x8a: {  	s1 =	srdreg.scid  }
0x8b: {  	s0 =	sand.u32 $0x1, s1  }
0x8c: {  	s16 =	sshll.u32 s0, $0xA;
	s2 =	sadd.s32 s3, s2  }
0x8d: {  	s2 =	sadd.s32 s2, s16  }
0x8e: {  	[smem:$0x3FB9] =	sst s2  }
0x8f: {  	_ = 	snop  }
0x90: {  	(tm) =	ssettm $0x1  }
0x91: {  	s17 =	sld [smem:$0x3FFB];
	_ =	sdelay $0x3  }
0x92: {  	_ =	strace s17  }
0x93: {  	s2 =	sld [smem:$0x3FFC];
	_ =	sdelay $0x3  }
0x94: {  	_ =	strace s2  }
0x95: {  	s2 =	sld [smem:$0x3FFD];
	_ =	sdelay $0x3  }
0x96: {  	_ =	strace s2  }
0x97: {  	_ =	strace $0x8FFFFFFF  }
0x98: {  	s18 =	sld [smem:$0x3FDB];
	_ =	sdelay $0x1  }
0x99: {  	s19 =	simm.s32 $_scs_section_size  }
0x9a: {  	s4 =	simm.s32 $_size__tile_overlayer_lowered;
	s5 =	simm.s32 $_tile_overlayer_lowered  }
0x9b: {  	s22 =	simm.s32 $0x1BFF;
	s21 =	sshll.u32 s5, $0x1;
	s2 =	sadd.s32 s19, s18  }
0x9c: {  	s6 =	simm.s32 $0x0;
	s20 =	sshll.u32 s4, $0x1;
	s4 =	sadd.s32 s21, s2  }
0x9d: {  	[timem:s6], [sflag:s22] =	dma.local [hbm:s4], s20  }
0x9e: {  	_ =	swait.ge [sflag:s22], s20  }
0x9f: {  	s3 =	ssub.s32 $0x0, s20;
	[sflag:s22] =	ssyncset.done $0x0  }
0xa0: {  	[sflag:s22] =	ssyncadd.s32 s3;
	_ =	sdelay $0x1  }
0xa1: {  	s23 =	simm.s32 $0x1B8B  }
0xa2: {  	_ =	swait.ge [sflag:s23], $0x1  }
0xa3: {  	[sflag:s23] =	ssyncset.done $0x0  }
0xa4: {  	s25 =	simm.s32 $0x1B8E;
	s24 =	sld [smem:$0x3FFE];
	[sflag:s23] =	ssyncadd.s32 $0xFFFFFFFF  }
0xa5: {  	s26 =	simm.s32 $execute0_lowered;
	[smem:$0x3FD2] =	sst s25  }
0xa6: {  	s4 =	sshll.u32 s26, $0x1;
	_ =	strace $0x8000004C;
	[dreg:$0x1] =	wrdreg $0xFFFFFFFF  }
0xa7: {  	s28 =	simm.s32 $_size_execute0_lowered;
	s2 =	sadd.s32 s2, s4;
	[dreg:$0x0] =	wrdreg $0x0  }
0xa8: {  	s4 =	sshll.u32 s28, $0x1;
	[dreg:$0x2] =	wrdreg s2  }
0xa9: {  	[dreg:$0x3] =	wrdreg s4  }
0xaa: {  	[dreg:$0x4] =	wrdreg $0xC0  }
0xab: {  	_ =	task [dreg:s6], $0x5FFFF  }
0xac: {  	[dreg:$0x1] =	wrdreg $0xFFFFFFFF  }
0xad: {  	[dreg:$0x0] =	wrdreg $0x60  }
0xae: {  	[dreg:$0x2] =	wrdreg s24  }
0xaf: {  	[dreg:$0x3] =	wrdreg $0x150000  }
0xb0: {  	[dreg:$0x4] =	wrdreg $0x9  }
0xb1: {  	_ =	task.clear_ibuf [dreg:s6], $0x5FFFF;
	_ =	strace $0x9000004C  }
0xb2: {  	s29 =	simm.s32 $0x9;
	_ =	strace $0x8000004E  }
0xb3: {  	_ =	swait.ge [sflag:s29], $0x1  }
0xb4: {  	[sflag:s29] =	ssyncadd.s32 $0xFFFFFFFF  }
0xb5: {  	_ =	strace $0x9000004E  }
0xb6: {  	_ =	sfence  }
0xb7: {  	s30 =	sld [smem:$0x0];
	_ =	sdelay $0x2  }
0xb8: {  	s31 =	sshll.u32 s1, $0xD;
	s1 =	sshrl.u32 s1, $0x2  }
0xb9: {  	s3 =	sand.u32 $0x4000, s31;
	s1 =	sadd.s32 s1, s30  }
0xba: {  	s0 =	sor.u32 s3, s0;
	s1 =	sshll.u32 s1, $0x11  }
0xbb: {  	s0 =	sor.u32 s1, s0  }
0xbc: {  	s0 =	sadd.s32 $0x8F2B, s0  }
0xbd: {  	[sflag:s0] =	ssyncadd.remote.s32 $0x1  }
0xbe: {  	_ =	sfence.sel $0xFFFF  }
0xbf: {  	[dreg:$0x0] =	wrdreg $0xFFFFFFFF;
	(pc) =	sbr.abs _section_cstart, $3  }
0xc0: {  	[dreg:$0x1] =	wrdreg $0xFFFFFFFF  }
0xc1: {  	_ =	task.clear_ibuf [dreg:s6], $0x2FFFF;
	_ =	strace $0x9FFFFFFF  }
0xc2: {  	(tm) =	ssettm $0x7FFFFFFF  }
0xc3: {  	_ =	shalt  }
tec
execute0_lowered:
.L_overlay_start_1:
0x0: {  	(tag) =	ssettag $0x1  }
0x1: {  	s5 =	rddreg [dreg:$0x0]  }
0x2: {  	s1 =	rddreg [dreg:$0x1]  }
0x3: {  	s2 =	simm.s32 $0x0;
	s8 =	stileid.u32;
	s3 =	srdreg.scid  }
0x4: {  	s11 =	simm.s32 $0x8000;
	s12 =	simm.s32 $0x50;
	s13 =	simm.s32 $0x10000  }
0x5: {  	s14 =	simm.s32 $0x12800;
	s15 =	simm.s32 $0x1;
	s16 =	simm.s32 $0x10800  }
0x6: {  	s17 =	simm.s32 $0x11000;
	s18 =	simm.s32 $0x11800;
	s19 =	simm.s32 $0x12000  }
0x7: {  	s20 =	simm.s32 $0x3;
	s21 =	simm.s32 $0x2;
	s22 =	simm.s32 $0x13000  }
0x8: {  	s23 =	simm.s32 $0x13800;
	s24 =	simm.s32 $0x14000;
	s25 =	simm.s32 $0x14800  }
0x9: {  	s26 =	simm.s32 $0x4;
	s28 =	simm.s32 $0x7C80;
	s29 =	simm.s32 $0x0  }
0xa: {  	[smem:$0x7FF] =	sst s2;
	s4 =	sshll.u32 s8, $0xC;
	s6 =	sand.u32 $0x1, s3  }
0xb: {  	s3 =	sadd.s32 $0x47800, s5;
	p0 =	sne.s32 s8, $0x0;
	_ =	strace $0x8000004D  }
0xc: {  	s7 =	sadd.s32 s4, s5;
	s9 =	smul.u32 $0x14080, s6;
	s10 =	ssub.s32 $0x2, s6  }
0xd: {  	s4 =	sadd.s32 $0x33600, s5;
	s6 =	sshll.u32 s6, $0x10;
	s31 =	sshrl.u32 s10, $0x1  }
0xe: {  	s6 =	sadd.s32 s6, s7;
	s9 =	sadd.s32 s9, s5;
	s10 =	ssub.s32 s10, s31  }
0xf: {  	s5 =	sadd.s32 $0x23600, s7;
	s6 =	sadd.s32 $0x3600, s6;
	s7 =	sadd.s32 $0x6EA00, s9  }
0x10: {  	vm0 =	vmmov $0xffff;
	s8 =	smax.u32 s10, $0x1;
	s9 =	sshrl.u32 @!p0 s1, $0x3;
	s10 =	simm.s32 $0x5  }
.LBB2_1:
0x11: {  	s30 =	simm.s32 @!p0 $0x1C05  }
0x12: {  	[spmem:s9], [sflag:s30] =	dma.local @!p0 [hbm:s4], $0x14080  }
0x13: {  	s30 =	simm.s32 @!p0 $0x5  }
0x14: {  	_ =	swait.ge @!p0 [sflag:s30], $0x14080  }
0x15: {  	[sflag:s30] =	ssyncset.done @!p0 $0x0  }
0x16: {  	[sflag:s30] =	ssyncadd.s32 @!p0 $0xFFFEBF80  }
0x17: {  	[bflag:$0x0] =	sbarrier.arrive $0xFFFF  }
0x18: {  	[tilespmem:s2], [sflag:$0x5] =	stream.linear.gather [hbm4b:s5+s2], $0x7D00, $0x38;
	[tilespmem:$0x1F040] =	vst v63  }
0x19: {  	_ =	swait.ge [sflag:s10], $0x7D00  }
0x1a: {  	[sflag:s10] =	ssyncset.done $0x0  }
0x1b: {  	[sflag:s10] =	ssyncadd.s32 $0xFFFF8300  }
0x1c: {  	[tilespmem:s11], [sflag:$0x5] =	stream.linear.gather [hbm4b:s6+s2], $0x7D00, $0x38;
	[tilespmem:$0x1F040] =	vst v63  }
0x1d: {  	_ =	swait.ge [sflag:s10], $0x7D00  }
0x1e: {  	[sflag:s10] =	ssyncset.done $0x0  }
0x1f: {  	s30 =	simm.s32 $0x0;
	[sflag:s10] =	ssyncadd.s32 $0xFFFF8300  }
0x20: {  	[tilespmem:s13], [sflag:$0x1] =	stream.indirect.gather [hbm4b:s3+s12], $0x80, s2, s12, $0xb8;
	[tilespmem:$0x1F040] =	vst v63  }
.LBB2_2:
0x21: {  	s31 =	sshra.s32 s30, $0x2  }
0x22: {  	s0 =	sadd.s32 $0x80, s31  }
0x23: {  	[tilespmem:s14], [sflag:$0x2] =	stream.indirect.gather [hbm4b:s3+s12], $0x80, s0, s12, $0xb8;
	[tilespmem:$0x1F040] =	vst v63  }
0x24: {  	_ =	swait.ge [sflag:s15], $0x2800  }
0x25: {  	[sflag:s15] =	ssyncset.done $0x0  }
0x26: {  	[sflag:s15] =	ssyncadd.s32 $0xFFFFD800  }
0x27: {  	v0 =	vld [tilespmem:s31+$0x8000];
	_ =	sdelay $0x7  }
0x28: {  	[spmem:s1] =	stream.indirect_vreg.scatter.add.f32 [tilespmem:s13], [sflag:$0x3], $0x80, v0, vm0, $0xb8;
	[tilespmem:$0x1F040] =	vst v63  }
0x29: {  	v0 =	vld [tilespmem:s31+$0x8010];
	_ =	sdelay $0x7  }
0x2a: {  	[spmem:s1] =	stream.indirect_vreg.scatter.add.f32 [tilespmem:s16], [sflag:$0x3], $0x80, v0, vm0, $0xb8;
	[tilespmem:$0x1F040] =	vst v63  }
0x2b: {  	v0 =	vld [tilespmem:s31+$0x8020];
	_ =	sdelay $0x7  }
0x2c: {  	[spmem:s1] =	stream.indirect_vreg.scatter.add.f32 [tilespmem:s17], [sflag:$0x3], $0x80, v0, vm0, $0xb8;
	[tilespmem:$0x1F040] =	vst v63  }
0x2d: {  	v0 =	vld [tilespmem:s31+$0x8030];
	_ =	sdelay $0x7  }
0x2e: {  	[spmem:s1] =	stream.indirect_vreg.scatter.add.f32 [tilespmem:s18], [sflag:$0x3], $0x80, v0, vm0, $0xb8;
	[tilespmem:$0x1F040] =	vst v63  }
0x2f: {  	v0 =	vld [tilespmem:s31+$0x8040];
	_ =	sdelay $0x7  }
0x30: {  	[spmem:s1] =	stream.indirect_vreg.scatter.add.f32 [tilespmem:s19], [sflag:$0x3], $0x80, v0, vm0, $0xb8;
	[tilespmem:$0x1F040] =	vst v63  }
0x31: {  	_ =	swait.ge [sflag:s20], $0x800  }
0x32: {  	[sflag:s20] =	ssyncset.done $0x0  }
0x33: {  	[sflag:s20] =	ssyncadd.s32 $0xFFFFF800  }
0x34: {  	_ =	swait.ge [sflag:s20], $0x800  }
0x35: {  	[sflag:s20] =	ssyncset.done $0x0  }
0x36: {  	[sflag:s20] =	ssyncadd.s32 $0xFFFFF800  }
0x37: {  	_ =	swait.ge [sflag:s20], $0x800  }
0x38: {  	[sflag:s20] =	ssyncset.done $0x0  }
0x39: {  	[sflag:s20] =	ssyncadd.s32 $0xFFFFF800  }
0x3a: {  	_ =	swait.ge [sflag:s20], $0x800  }
0x3b: {  	[sflag:s20] =	ssyncset.done $0x0  }
0x3c: {  	[sflag:s20] =	ssyncadd.s32 $0xFFFFF800  }
0x3d: {  	_ =	swait.ge [sflag:s20], $0x800  }
0x3e: {  	[sflag:s20] =	ssyncset.done $0x0  }
0x3f: {  	s0 =	sadd.s32 $0x100, s31;
	[sflag:s20] =	ssyncadd.s32 $0xFFFFF800  }
0x40: {  	[tilespmem:s13], [sflag:$0x1] =	stream.indirect.gather [hbm4b:s3+s12], $0x80, s0, s12, $0xb8;
	[tilespmem:$0x1F040] =	vst v63  }
0x41: {  	_ =	swait.ge [sflag:s21], $0x2800  }
0x42: {  	[sflag:s21] =	ssyncset.done $0x0  }
0x43: {  	[sflag:s21] =	ssyncadd.s32 $0xFFFFD800  }
0x44: {  	v63 =	vld [tilespmem:s31+$0x8080];
	_ =	sdelay $0x7  }
0x45: {  	[spmem:s1] =	stream.indirect_vreg.scatter.add.f32 [tilespmem:s14], [sflag:$0x4], $0x80, v63, vm0, $0xb8;
	[tilespmem:$0x1F040] =	vst v63  }
0x46: {  	v0 =	vld [tilespmem:s31+$0x8090];
	_ =	sdelay $0x7  }
0x47: {  	[spmem:s1] =	stream.indirect_vreg.scatter.add.f32 [tilespmem:s22], [sflag:$0x4], $0x80, v0, vm0, $0xb8;
	[tilespmem:$0x1F040] =	vst v63  }
0x48: {  	v0 =	vld [tilespmem:s31+$0x80A0];
	_ =	sdelay $0x7  }
0x49: {  	[spmem:s1] =	stream.indirect_vreg.scatter.add.f32 [tilespmem:s23], [sflag:$0x4], $0x80, v0, vm0, $0xb8;
	[tilespmem:$0x1F040] =	vst v63  }
0x4a: {  	v0 =	vld [tilespmem:s31+$0x80B0];
	_ =	sdelay $0x7  }
0x4b: {  	[spmem:s1] =	stream.indirect_vreg.scatter.add.f32 [tilespmem:s24], [sflag:$0x4], $0x80, v0, vm0, $0xb8;
	[tilespmem:$0x1F040] =	vst v63  }
0x4c: {  	v0 =	vld [tilespmem:s31+$0x80C0];
	_ =	sdelay $0x7  }
0x4d: {  	[spmem:s1] =	stream.indirect_vreg.scatter.add.f32 [tilespmem:s25], [sflag:$0x4], $0x80, v0, vm0, $0xb8;
	[tilespmem:$0x1F040] =	vst v63  }
0x4e: {  	_ =	swait.ge [sflag:s26], $0x800  }
0x4f: {  	[sflag:s26] =	ssyncset.done $0x0  }
0x50: {  	[sflag:s26] =	ssyncadd.s32 $0xFFFFF800  }
0x51: {  	_ =	swait.ge [sflag:s26], $0x800  }
0x52: {  	[sflag:s26] =	ssyncset.done $0x0  }
0x53: {  	[sflag:s26] =	ssyncadd.s32 $0xFFFFF800  }
0x54: {  	_ =	swait.ge [sflag:s26], $0x800  }
0x55: {  	[sflag:s26] =	ssyncset.done $0x0  }
0x56: {  	[sflag:s26] =	ssyncadd.s32 $0xFFFFF800  }
0x57: {  	p1 =	sne.s32 s30, $0x1EC00;
	_ =	swait.ge [sflag:s26], $0x800  }
.Ltmp0:
0x58: {  	[sflag:s26] =	ssyncset.done $0x0;
	(pc) =	sbr.rel @p1 .LBB2_2-.Ltmp0, $4  }
0x59: {  	[sflag:s26] =	ssyncadd.s32 $0xFFFFF800  }
0x5a: {  	_ =	swait.ge [sflag:s26], $0x800  }
0x5b: {  	[sflag:s26] =	ssyncset.done $0x0  }
0x5c: {  	s30 =	sadd.s32 $0x400, s30;
	[sflag:s26] =	ssyncadd.s32 $0xFFFFF800  }
0x5d: {  	[tilespmem:s14], [sflag:$0x2] =	stream.indirect.gather [hbm4b:s3+s12], $0x80, s28, s12, $0xb8;
	[tilespmem:$0x1F040] =	vst v63  }
0x5e: {  	_ =	swait.ge [sflag:s15], $0x2800  }
0x5f: {  	[sflag:s15] =	ssyncset.done $0x0  }
0x60: {  	[sflag:s15] =	ssyncadd.s32 $0xFFFFD800  }
0x61: {  	v0 =	vld [tilespmem:$0xFC00];
	_ =	sdelay $0x7  }
0x62: {  	[spmem:s1] =	stream.indirect_vreg.scatter.add.f32 [tilespmem:s13], [sflag:$0x3], $0x80, v0, vm0, $0xb8;
	[tilespmem:$0x1F040] =	vst v63  }
0x63: {  	v0 =	vld [tilespmem:$0xFC10];
	_ =	sdelay $0x7  }
0x64: {  	[spmem:s1] =	stream.indirect_vreg.scatter.add.f32 [tilespmem:s16], [sflag:$0x3], $0x80, v0, vm0, $0xb8;
	[tilespmem:$0x1F040] =	vst v63  }
0x65: {  	v0 =	vld [tilespmem:$0xFC20];
	_ =	sdelay $0x7  }
0x66: {  	[spmem:s1] =	stream.indirect_vreg.scatter.add.f32 [tilespmem:s17], [sflag:$0x3], $0x80, v0, vm0, $0xb8;
	[tilespmem:$0x1F040] =	vst v63  }
0x67: {  	v0 =	vld [tilespmem:$0xFC30];
	_ =	sdelay $0x7  }
0x68: {  	[spmem:s1] =	stream.indirect_vreg.scatter.add.f32 [tilespmem:s18], [sflag:$0x3], $0x80, v0, vm0, $0xb8;
	[tilespmem:$0x1F040] =	vst v63  }
0x69: {  	v0 =	vld [tilespmem:$0xFC40];
	_ =	sdelay $0x7  }
0x6a: {  	[spmem:s1] =	stream.indirect_vreg.scatter.add.f32 [tilespmem:s19], [sflag:$0x3], $0x80, v0, vm0, $0xb8;
	[tilespmem:$0x1F040] =	vst v63  }
0x6b: {  	_ =	swait.ge [sflag:s20], $0x800  }
0x6c: {  	[sflag:s20] =	ssyncset.done $0x0  }
0x6d: {  	[sflag:s20] =	ssyncadd.s32 $0xFFFFF800  }
0x6e: {  	_ =	swait.ge [sflag:s20], $0x800  }
0x6f: {  	[sflag:s20] =	ssyncset.done $0x0  }
0x70: {  	[sflag:s20] =	ssyncadd.s32 $0xFFFFF800  }
0x71: {  	_ =	swait.ge [sflag:s20], $0x800  }
0x72: {  	[sflag:s20] =	ssyncset.done $0x0  }
0x73: {  	[sflag:s20] =	ssyncadd.s32 $0xFFFFF800  }
0x74: {  	_ =	swait.ge [sflag:s20], $0x800  }
0x75: {  	[sflag:s20] =	ssyncset.done $0x0  }
0x76: {  	[sflag:s20] =	ssyncadd.s32 $0xFFFFF800  }
0x77: {  	_ =	swait.ge [sflag:s20], $0x800  }
0x78: {  	[sflag:s20] =	ssyncset.done $0x0  }
0x79: {  	[sflag:s20] =	ssyncadd.s32 $0xFFFFF800  }
0x7a: {  	_ =	swait.ge [sflag:s21], $0x2800  }
0x7b: {  	[sflag:s21] =	ssyncset.done $0x0  }
0x7c: {  	[sflag:s21] =	ssyncadd.s32 $0xFFFFD800  }
0x7d: {  	v63 =	vld [tilespmem:$0xFC80];
	_ =	sdelay $0x7  }
0x7e: {  	[spmem:s1] =	stream.indirect_vreg.scatter.add.f32 [tilespmem:s14], [sflag:$0x4], $0x80, v63, vm0, $0xb8;
	[tilespmem:$0x1F040] =	vst v63  }
0x7f: {  	v0 =	vld [tilespmem:$0xFC90];
	_ =	sdelay $0x7  }
0x80: {  	[spmem:s1] =	stream.indirect_vreg.scatter.add.f32 [tilespmem:s22], [sflag:$0x4], $0x80, v0, vm0, $0xb8;
	[tilespmem:$0x1F040] =	vst v63  }
0x81: {  	v0 =	vld [tilespmem:$0xFCA0];
	_ =	sdelay $0x7  }
0x82: {  	[spmem:s1] =	stream.indirect_vreg.scatter.add.f32 [tilespmem:s23], [sflag:$0x4], $0x80, v0, vm0, $0xb8;
	[tilespmem:$0x1F040] =	vst v63  }
0x83: {  	v0 =	vld [tilespmem:$0xFCB0];
	_ =	sdelay $0x7  }
0x84: {  	[spmem:s1] =	stream.indirect_vreg.scatter.add.f32 [tilespmem:s24], [sflag:$0x4], $0x80, v0, vm0, $0xb8;
	[tilespmem:$0x1F040] =	vst v63  }
0x85: {  	v0 =	vld [tilespmem:$0xFCC0];
	_ =	sdelay $0x7  }
0x86: {  	[spmem:s1] =	stream.indirect_vreg.scatter.add.f32 [tilespmem:s25], [sflag:$0x4], $0x80, v0, vm0, $0xb8;
	[tilespmem:$0x1F040] =	vst v63  }
0x87: {  	_ =	swait.ge [sflag:s26], $0x800  }
0x88: {  	[sflag:s26] =	ssyncset.done $0x0  }
0x89: {  	[sflag:s26] =	ssyncadd.s32 $0xFFFFF800  }
0x8a: {  	_ =	swait.ge [sflag:s26], $0x800  }
0x8b: {  	[sflag:s26] =	ssyncset.done $0x0  }
0x8c: {  	[sflag:s26] =	ssyncadd.s32 $0xFFFFF800  }
0x8d: {  	_ =	swait.ge [sflag:s26], $0x800  }
0x8e: {  	[sflag:s26] =	ssyncset.done $0x0  }
0x8f: {  	[sflag:s26] =	ssyncadd.s32 $0xFFFFF800  }
0x90: {  	_ =	swait.ge [sflag:s26], $0x800  }
0x91: {  	[sflag:s26] =	ssyncset.done $0x0  }
0x92: {  	[sflag:s26] =	ssyncadd.s32 $0xFFFFF800  }
0x93: {  	_ =	swait.ge [sflag:s26], $0x800  }
0x94: {  	[sflag:s26] =	ssyncset.done $0x0  }
0x95: {  	s29 =	sadd.s32 $0x1, s29;
	[sflag:s26] =	ssyncadd.s32 $0xFFFFF800  }
0x96: {  	s0 =	simm.s32 @!p0 $0x1C05;
	p1 =	sne.s32 s29, s8;
	[bflag:$0x0] =	sbarrier.arrive $0xFFFF  }
0x97: {  	[hbm:s7], [sflag:s0] =	dma.local @!p0 [spmem:s9], $0x14080  }
.Ltmp1:
0x98: {  	_ = 	snop;
	(pc) =	sbr.rel @p1 .LBB2_1-.Ltmp1, $4  }
0x99: {  	s0 =	simm.s32 @!p0 $0x5  }
0x9a: {  	_ =	swait.ge @!p0 [sflag:s0], $0x14080  }
0x9b: {  	[sflag:s0] =	ssyncset.done @!p0 $0x0  }
0x9c: {  	[sflag:s0] =	ssyncadd.s32 @!p0 $0xFFFEBF80  }
0x9d: {  	_ =	sfence.sel $0x180000  }
0x9e: {  	[bflag:$0x0] =	sbarrier.arrive $0xFFFF  }
0x9f: {  	_ =	strace $0x9000004D  }
0xa0: {  	[bflag:$0x2] =	sbarrier.arrive $0xFFFF  }
0xa1: {  	s0 =	rddreg [dreg:$0x2]  }
0xa2: {  	s0 =	sadd.s32 @!p0 $0x100000, s0  }
0xa3: {  	[sflag:s0] =	ssyncadd.tile.s32 @!p0 $0x1;
	_ =	shalt  }
.Lfunc_end2:
_tile_overlayer_lowered:
.L_overlay_start_2:
0xa4: {  	(tag) =	ssettag $0x2  }
0xa5: {  	s0 =	rddreg [dreg:$0x0];
	s2 =	stileid.u32  }
0xa6: {  	s1 =	rddreg [dreg:$0x1];
	p0 =	sne.s32 s2, $0x0  }
0xa7: {  	s3 =	rddreg [dreg:$0x2];
	[bflag:$0x3] =	sbarrier.arrive $0xFFFF;
	s2 =	simm.s32 @!p0 $0x1C05  }
0xa8: {  	[timem:s3], [sflag:s2] =	dma.local @!p0 [hbm:s0], s1  }
0xa9: {  	s0 =	simm.s32 @!p0 $0x5  }
0xaa: {  	_ =	swait.ge @!p0 [sflag:s0], s1  }
0xab: {  	s1 =	ssub.s32 @!p0 $0x0, s1;
	[sflag:s0] =	ssyncset.done @!p0 $0x0  }
0xac: {  	[sflag:s0] =	ssyncadd.s32 @!p0 s1  }
0xad: {  	[bflag:$0x3] =	sbarrier.arrive $0xFFFF  }
0xae: {  	_ =	shalt  }

// kernel: kernel.9.cloned.1.call-start
scs
__scs_entry_jumppad:
0x0: {  	(pc) =	sbr.rel $0x88, $3  }
0x1: {  	(tag) =	ssettag $0x0;
	lr =	simm.s32 $0x1  }
0x2: {  	[smem:$0x3F92] =	sst lr;
	_ =	strace $0xD0000000  }
0x3: {  	_ = 	snop  }
0x4: {  	_ = 	snop  }
0x5: {  	_ = 	snop  }
0x6: {  	_ = 	snop  }
0x7: {  	_ = 	snop  }
__scs_overlays_trampoline_lowered:
0x8: {  	[smem:$0x3FA1] =	sst s0  }
0x9: {  	[smem:$0x3FA2] =	sst s1  }
0xa: {  	[smem:$0x3FA3] =	sst s2  }
0xb: {  	[smem:$0x3FA4] =	sst s3  }
0xc: {  	[smem:$0x3FA5] =	sst s4  }
0xd: {  	[smem:$0x3FA6] =	sst s5  }
0xe: {  	[smem:$0x3FA7] =	sst s6  }
0xf: {  	[smem:$0x3FA8] =	sst s7  }
0x10: {  	[smem:$0x3FA9] =	sst s8  }
0x11: {  	[smem:$0x3FAA] =	sst s9;
	s0 =	simm.s32 @!p0 $0x0  }
0x12: {  	s1 =	sld [smem:$0x3F90];
	s0 =	simm.s32 @p0 $0x1  }
0x13: {  	[smem:$0x3FAB] =	sst s0;
	s0 =	simm.s32 @!p1 $0x0  }
0x14: {  	s2 =	sld [smem:$0x3F8F];
	s0 =	simm.s32 @p1 $0x1  }
0x15: {  	[smem:$0x3FAC] =	sst s0;
	s0 =	simm.s32 @!p2 $0x0  }
0x16: {  	s3 =	sld [smem:$0x3FDB];
	s0 =	simm.s32 @p2 $0x1  }
0x17: {  	s4 =	simm.s32 $0x1BF5;
	[smem:$0x3FAE] =	sst s0  }
0x18: {  	s0 =	sld [smem:$0x3F91];
	_ =	swait.ge [sflag:s4], $0x0  }
0x19: {  	s7 =	sld [smem:$0x3F92]  }
0x1a: {  	s8 =	sadd.s32 $0xFFFFE003, lr  }
0x1b: {  	s9 =	sadd.s32 $0xFFFFFEF7, lr;
	s5 =	simm.s32 $0xFFFFFFFF;
	p2 =	slt.u32 s8, $0xFFFFF086  }
0x1c: {  	p1 =	slt.u32 s9, $0xF7A;
	s5 =	simm.s32 @!p2 $0x0  }
0x1d: {  	s5 =	simm.s32 @p1 $0x1;
	p0 =	seq.s32 s7, s2  }
0x1e: {  	s7 =	smul.u32 @!p0 $0xF7A, s2;
	p2 =	seq.s32 @!p0 s5, $0x0  }
0x1f: {  	s9 =	smul.u32 $0xF7A, s1;
	s8 =	simm.s32 @!p0 $0x1BF5;
	p2 =	por !p2, p0  }
0x20: {  	[sflag:s8] =	ssyncset.s32 @!p0 $0xFFFFF086;
	s6 =	sadd.s32 @!p0 s3, s7;
	s7 =	simm.s32 @!p0 $0x108  }
0x21: {  	s3 =	sadd.s32 s3, s9;
	s6 =	sadd.s32 @!p0 $0x88, s6;
	s7 =	simm.s32 @p2 $0x1082  }
0x22: {  	[simem:s7], [sflag:s8] =	dma.local @!p0 [hbm:s6], $0xF7A  }
0x23: {  	s9 =	sor.u32 $0xD0000000, s2;
	s6 =	simm.s32 $0x108;
	_ =	swait.ge @!p0 [sflag:s8], $0x0  }
0x24: {  	s3 =	sadd.s32 $0x88, s3;
	s6 =	simm.s32 @!p1 $0x1082;
	[sflag:s4] =	ssyncset.s32 $0xFFFFF086  }
0x25: {  	[simem:s6], [sflag:s4] =	dma.local [hbm:s3], $0xF7A  }
0x26: {  	[smem:$0x3F92] =	sst s1;
	(tag) =	ssettag s2;
	_ =	strace s9  }
0x27: {  	s1 =	sld [smem:$0x3FA2]  }
0x28: {  	s2 =	sld [smem:$0x3FA3]  }
0x29: {  	s4 =	sld [smem:$0x3FA5]  }
0x2a: {  	p0 =	seq.s32 s5, $0x0;
	s5 =	sld [smem:$0x3FA6]  }
0x2b: {  	s6 =	sld [smem:$0x3FA7]  }
0x2c: {  	s7 =	sld [smem:$0x3FA8]  }
0x2d: {  	s3 =	simm.s32 $0x108;
	s8 =	sld [smem:$0x3FA9]  }
0x2e: {  	s3 =	simm.s32 @!p0 $0x1082;
	s9 =	sld [smem:$0x3FAA]  }
0x2f: {  	lr =	sadd.s32 s0, s3;
	s0 =	sld [smem:$0x3FA1]  }
0x30: {  	s3 =	sld [smem:$0x3FA4]  }
0x31: {  	[smem:$0x3FAD] =	sst s10  }
0x32: {  	s10 =	sld [smem:$0x3FAB];
	_ =	sdelay $0x3  }
0x33: {  	p0 =	seq.s32 s10, $0x1;
	s10 =	sld [smem:$0x3FAD];
	_ =	sdelay $0x3  }
0x34: {  	[smem:$0x3FAD] =	sst s10  }
0x35: {  	s10 =	sld [smem:$0x3FAC];
	_ =	sdelay $0x3  }
0x36: {  	p1 =	seq.s32 s10, $0x1;
	s10 =	sld [smem:$0x3FAD];
	_ =	sdelay $0x3  }
0x37: {  	[smem:$0x3FAD] =	sst s10  }
0x38: {  	s10 =	sld [smem:$0x3FAE]  }
0x39: {  	_ = 	snop;
	(pc) =	sbr.ind lr, $3  }
0x3a: {  	_ = 	snop  }
0x3b: {  	_ = 	snop  }
0x3c: {  	p2 =	seq.s32 s10, $0x1;
	s10 =	sld [smem:$0x3FAD]  }
0x3d: {  	_ =	shalt  }
0x3e: {  	_ =	shalt  }
0x3f: {  	_ =	shalt  }
0x40: {  	_ =	shalt  }
0x41: {  	_ =	shalt  }
0x42: {  	_ =	shalt  }
0x43: {  	_ =	shalt  }
0x44: {  	_ =	shalt  }
0x45: {  	_ =	shalt  }
0x46: {  	_ =	shalt  }
0x47: {  	_ =	shalt  }
0x48: {  	_ =	shalt  }
0x49: {  	_ =	shalt  }
0x4a: {  	_ =	shalt  }
0x4b: {  	_ =	shalt  }
0x4c: {  	_ =	shalt  }
0x4d: {  	_ =	shalt  }
0x4e: {  	_ =	shalt  }
0x4f: {  	_ =	shalt  }
0x50: {  	_ =	shalt  }
0x51: {  	_ =	shalt  }
0x52: {  	_ =	shalt  }
0x53: {  	_ =	shalt  }
0x54: {  	_ =	shalt  }
0x55: {  	_ =	shalt  }
0x56: {  	_ =	shalt  }
0x57: {  	_ =	shalt  }
0x58: {  	_ =	shalt  }
0x59: {  	_ =	shalt  }
0x5a: {  	_ =	shalt  }
0x5b: {  	_ =	shalt  }
0x5c: {  	_ =	shalt  }
0x5d: {  	_ =	shalt  }
0x5e: {  	_ =	shalt  }
0x5f: {  	_ =	shalt  }
0x60: {  	_ =	shalt  }
0x61: {  	_ =	shalt  }
0x62: {  	_ =	shalt  }
0x63: {  	_ =	shalt  }
0x64: {  	_ =	shalt  }
0x65: {  	_ =	shalt  }
0x66: {  	_ =	shalt  }
0x67: {  	_ =	shalt  }
0x68: {  	_ =	shalt  }
0x69: {  	_ =	shalt  }
0x6a: {  	_ =	shalt  }
0x6b: {  	_ =	shalt  }
0x6c: {  	_ =	shalt  }
0x6d: {  	_ =	shalt  }
0x6e: {  	_ =	shalt  }
0x6f: {  	_ =	shalt  }
0x70: {  	_ =	shalt  }
0x71: {  	_ =	shalt  }
0x72: {  	_ =	shalt  }
0x73: {  	_ =	shalt  }
0x74: {  	_ =	shalt  }
0x75: {  	_ =	shalt  }
0x76: {  	_ =	shalt  }
0x77: {  	_ =	shalt  }
0x78: {  	_ =	shalt  }
0x79: {  	_ =	shalt  }
0x7a: {  	_ =	shalt  }
0x7b: {  	_ =	shalt  }
0x7c: {  	_ =	shalt  }
0x7d: {  	_ =	shalt  }
0x7e: {  	_ =	shalt  }
0x7f: {  	_ =	shalt  }
0x80: {  	_ =	shalt  }
0x81: {  	_ =	shalt  }
0x82: {  	_ =	shalt  }
0x83: {  	_ =	shalt  }
0x84: {  	_ =	shalt  }
0x85: {  	_ =	shalt  }
0x86: {  	_ =	shalt  }
0x87: {  	_ =	shalt  }
.Lfunc_end0:
.L_simem_size_0:
called_computation_lowered:
.L_overlay_start_0:
0x88: {  	s2 =	sld [smem:$0x3FD9]  }
0x89: {  	s3 =	sld [smem:$0x3FFE];
	_ =	sdelay $0x1  }
0x8a: {  	s1 =	srdreg.scid  }
0x8b: {  	s0 =	sand.u32 $0x1, s1  }
0x8c: {  	s16 =	sshll.u32 s0, $0xA;
	s2 =	sadd.s32 s3, s2  }
0x8d: {  	s2 =	sadd.s32 s2, s16  }
0x8e: {  	[smem:$0x3FB9] =	sst s2  }
0x8f: {  	_ = 	snop  }
0x90: {  	(tm) =	ssettm $0x1  }
0x91: {  	s17 =	sld [smem:$0x3FFB];
	_ =	sdelay $0x3  }
0x92: {  	_ =	strace s17  }
0x93: {  	s2 =	sld [smem:$0x3FFC];
	_ =	sdelay $0x3  }
0x94: {  	_ =	strace s2  }
0x95: {  	s2 =	sld [smem:$0x3FFD];
	_ =	sdelay $0x3  }
0x96: {  	_ =	strace s2  }
0x97: {  	_ =	strace $0x8FFFFFFF  }
0x98: {  	s18 =	sld [smem:$0x3FDB];
	_ =	sdelay $0x1  }
0x99: {  	s19 =	simm.s32 $_scs_section_size  }
0x9a: {  	s4 =	simm.s32 $_size__tile_overlayer_lowered;
	s5 =	simm.s32 $_tile_overlayer_lowered  }
0x9b: {  	s22 =	simm.s32 $0x1BFF;
	s21 =	sshll.u32 s5, $0x1;
	s2 =	sadd.s32 s19, s18  }
0x9c: {  	s6 =	simm.s32 $0x0;
	s20 =	sshll.u32 s4, $0x1;
	s4 =	sadd.s32 s21, s2  }
0x9d: {  	[timem:s6], [sflag:s22] =	dma.local [hbm:s4], s20  }
0x9e: {  	_ =	swait.ge [sflag:s22], s20  }
0x9f: {  	s3 =	ssub.s32 $0x0, s20;
	[sflag:s22] =	ssyncset.done $0x0  }
0xa0: {  	[sflag:s22] =	ssyncadd.s32 s3;
	_ =	sdelay $0x1  }
0xa1: {  	s23 =	simm.s32 $0x1B8B  }
0xa2: {  	_ =	swait.ge [sflag:s23], $0x1  }
0xa3: {  	[sflag:s23] =	ssyncset.done $0x0  }
0xa4: {  	s25 =	simm.s32 $0x1B8E;
	s24 =	sld [smem:$0x3FFE];
	[sflag:s23] =	ssyncadd.s32 $0xFFFFFFFF  }
0xa5: {  	s26 =	simm.s32 $execute0_lowered;
	[smem:$0x3FD2] =	sst s25  }
0xa6: {  	s4 =	sshll.u32 s26, $0x1;
	_ =	strace $0x80000046;
	[dreg:$0x1] =	wrdreg $0xFFFFFFFF  }
0xa7: {  	s28 =	simm.s32 $_size_execute0_lowered;
	s2 =	sadd.s32 s2, s4;
	[dreg:$0x0] =	wrdreg $0x0  }
0xa8: {  	s4 =	sshll.u32 s28, $0x1;
	[dreg:$0x2] =	wrdreg s2  }
0xa9: {  	[dreg:$0x3] =	wrdreg s4  }
0xaa: {  	[dreg:$0x4] =	wrdreg $0xC0  }
0xab: {  	_ =	task [dreg:s6], $0x5FFFF  }
0xac: {  	[dreg:$0x1] =	wrdreg $0xFFFFFFFF  }
0xad: {  	[dreg:$0x0] =	wrdreg $0x60  }
0xae: {  	[dreg:$0x2] =	wrdreg s24  }
0xaf: {  	[dreg:$0x3] =	wrdreg $0x150000  }
0xb0: {  	[dreg:$0x4] =	wrdreg $0x9  }
0xb1: {  	_ =	task.clear_ibuf [dreg:s6], $0x5FFFF;
	_ =	strace $0x90000046  }
0xb2: {  	s29 =	simm.s32 $0x9;
	_ =	strace $0x80000048  }
0xb3: {  	_ =	swait.ge [sflag:s29], $0x1  }
0xb4: {  	[sflag:s29] =	ssyncadd.s32 $0xFFFFFFFF  }
0xb5: {  	_ =	strace $0x90000048  }
0xb6: {  	_ =	sfence  }
0xb7: {  	s30 =	sld [smem:$0x0];
	_ =	sdelay $0x2  }
0xb8: {  	s31 =	sshll.u32 s1, $0xD;
	s1 =	sshrl.u32 s1, $0x2  }
0xb9: {  	s3 =	sand.u32 $0x4000, s31;
	s1 =	sadd.s32 s1, s30  }
0xba: {  	s0 =	sor.u32 s3, s0;
	s1 =	sshll.u32 s1, $0x11  }
0xbb: {  	s0 =	sor.u32 s1, s0  }
0xbc: {  	s0 =	sadd.s32 $0x8F2B, s0  }
0xbd: {  	[sflag:s0] =	ssyncadd.remote.s32 $0x1  }
0xbe: {  	_ =	sfence.sel $0xFFFF  }
0xbf: {  	[dreg:$0x0] =	wrdreg $0xFFFFFFFF;
	(pc) =	sbr.abs _section_cstart, $3  }
0xc0: {  	[dreg:$0x1] =	wrdreg $0xFFFFFFFF  }
0xc1: {  	_ =	task.clear_ibuf [dreg:s6], $0x2FFFF;
	_ =	strace $0x9FFFFFFF  }
0xc2: {  	(tm) =	ssettm $0x7FFFFFFF  }
0xc3: {  	_ =	shalt  }
tec
execute0_lowered:
.L_overlay_start_1:
0x0: {  	(tag) =	ssettag $0x1  }
0x1: {  	s5 =	rddreg [dreg:$0x0]  }
0x2: {  	s1 =	rddreg [dreg:$0x1]  }
0x3: {  	s2 =	simm.s32 $0x0;
	s8 =	stileid.u32;
	s3 =	srdreg.scid  }
0x4: {  	s11 =	simm.s32 $0x8000;
	s12 =	simm.s32 $0x50;
	s13 =	simm.s32 $0x10000  }
0x5: {  	s14 =	simm.s32 $0x12800;
	s15 =	simm.s32 $0x1;
	s16 =	simm.s32 $0x10800  }
0x6: {  	s17 =	simm.s32 $0x11000;
	s18 =	simm.s32 $0x11800;
	s19 =	simm.s32 $0x12000  }
0x7: {  	s20 =	simm.s32 $0x3;
	s21 =	simm.s32 $0x2;
	s22 =	simm.s32 $0x13000  }
0x8: {  	s23 =	simm.s32 $0x13800;
	s24 =	simm.s32 $0x14000;
	s25 =	simm.s32 $0x14800  }
0x9: {  	s26 =	simm.s32 $0x4;
	s28 =	simm.s32 $0x7C80;
	s29 =	simm.s32 $0x0  }
0xa: {  	[smem:$0x7FF] =	sst s2;
	s4 =	sshll.u32 s8, $0xC;
	s6 =	sand.u32 $0x1, s3  }
0xb: {  	s3 =	sadd.s32 $0x47800, s5;
	p0 =	sne.s32 s8, $0x0;
	_ =	strace $0x80000047  }
0xc: {  	s7 =	sadd.s32 s4, s5;
	s9 =	smul.u32 $0x14080, s6;
	s10 =	ssub.s32 $0x2, s6  }
0xd: {  	s4 =	sadd.s32 $0x33600, s5;
	s6 =	sshll.u32 s6, $0x10;
	s31 =	sshrl.u32 s10, $0x1  }
0xe: {  	s6 =	sadd.s32 s6, s7;
	s9 =	sadd.s32 s9, s5;
	s10 =	ssub.s32 s10, s31  }
0xf: {  	s5 =	sadd.s32 $0x23600, s7;
	s6 =	sadd.s32 $0x3600, s6;
	s7 =	sadd.s32 $0x6EA00, s9  }
0x10: {  	vm0 =	vmmov $0xffff;
	s8 =	smax.u32 s10, $0x1;
	s9 =	sshrl.u32 @!p0 s1, $0x3;
	s10 =	simm.s32 $0x5  }
.LBB2_1:
0x11: {  	s30 =	simm.s32 @!p0 $0x1C05  }
0x12: {  	[spmem:s9], [sflag:s30] =	dma.local @!p0 [hbm:s4], $0x14080  }
0x13: {  	s30 =	simm.s32 @!p0 $0x5  }
0x14: {  	_ =	swait.ge @!p0 [sflag:s30], $0x14080  }
0x15: {  	[sflag:s30] =	ssyncset.done @!p0 $0x0  }
0x16: {  	[sflag:s30] =	ssyncadd.s32 @!p0 $0xFFFEBF80  }
0x17: {  	[bflag:$0x0] =	sbarrier.arrive $0xFFFF  }
0x18: {  	[tilespmem:s2], [sflag:$0x5] =	stream.linear.gather [hbm4b:s5+s2], $0x7D00, $0x38;
	[tilespmem:$0x1F040] =	vst v63  }
0x19: {  	_ =	swait.ge [sflag:s10], $0x7D00  }
0x1a: {  	[sflag:s10] =	ssyncset.done $0x0  }
0x1b: {  	[sflag:s10] =	ssyncadd.s32 $0xFFFF8300  }
0x1c: {  	[tilespmem:s11], [sflag:$0x5] =	stream.linear.gather [hbm4b:s6+s2], $0x7D00, $0x38;
	[tilespmem:$0x1F040] =	vst v63  }
0x1d: {  	_ =	swait.ge [sflag:s10], $0x7D00  }
0x1e: {  	[sflag:s10] =	ssyncset.done $0x0  }
0x1f: {  	s30 =	simm.s32 $0x0;
	[sflag:s10] =	ssyncadd.s32 $0xFFFF8300  }
0x20: {  	[tilespmem:s13], [sflag:$0x1] =	stream.indirect.gather [hbm4b:s3+s12], $0x80, s2, s12, $0xb8;
	[tilespmem:$0x1F040] =	vst v63  }
.LBB2_2:
0x21: {  	s31 =	sshra.s32 s30, $0x2  }
0x22: {  	s0 =	sadd.s32 $0x80, s31  }
0x23: {  	[tilespmem:s14], [sflag:$0x2] =	stream.indirect.gather [hbm4b:s3+s12], $0x80, s0, s12, $0xb8;
	[tilespmem:$0x1F040] =	vst v63  }
0x24: {  	_ =	swait.ge [sflag:s15], $0x2800  }
0x25: {  	[sflag:s15] =	ssyncset.done $0x0  }
0x26: {  	[sflag:s15] =	ssyncadd.s32 $0xFFFFD800  }
0x27: {  	v0 =	vld [tilespmem:s31+$0x8000];
	_ =	sdelay $0x7  }
0x28: {  	[spmem:s1] =	stream.indirect_vreg.scatter.add.f32 [tilespmem:s13], [sflag:$0x3], $0x80, v0, vm0, $0xb8;
	[tilespmem:$0x1F040] =	vst v63  }
0x29: {  	v0 =	vld [tilespmem:s31+$0x8010];
	_ =	sdelay $0x7  }
0x2a: {  	[spmem:s1] =	stream.indirect_vreg.scatter.add.f32 [tilespmem:s16], [sflag:$0x3], $0x80, v0, vm0, $0xb8;
	[tilespmem:$0x1F040] =	vst v63  }
0x2b: {  	v0 =	vld [tilespmem:s31+$0x8020];
	_ =	sdelay $0x7  }
0x2c: {  	[spmem:s1] =	stream.indirect_vreg.scatter.add.f32 [tilespmem:s17], [sflag:$0x3], $0x80, v0, vm0, $0xb8;
	[tilespmem:$0x1F040] =	vst v63  }
0x2d: {  	v0 =	vld [tilespmem:s31+$0x8030];
	_ =	sdelay $0x7  }
0x2e: {  	[spmem:s1] =	stream.indirect_vreg.scatter.add.f32 [tilespmem:s18], [sflag:$0x3], $0x80, v0, vm0, $0xb8;
	[tilespmem:$0x1F040] =	vst v63  }
0x2f: {  	v0 =	vld [tilespmem:s31+$0x8040];
	_ =	sdelay $0x7  }
0x30: {  	[spmem:s1] =	stream.indirect_vreg.scatter.add.f32 [tilespmem:s19], [sflag:$0x3], $0x80, v0, vm0, $0xb8;
	[tilespmem:$0x1F040] =	vst v63  }
0x31: {  	_ =	swait.ge [sflag:s20], $0x800  }
0x32: {  	[sflag:s20] =	ssyncset.done $0x0  }
0x33: {  	[sflag:s20] =	ssyncadd.s32 $0xFFFFF800  }
0x34: {  	_ =	swait.ge [sflag:s20], $0x800  }
0x35: {  	[sflag:s20] =	ssyncset.done $0x0  }
0x36: {  	[sflag:s20] =	ssyncadd.s32 $0xFFFFF800  }
0x37: {  	_ =	swait.ge [sflag:s20], $0x800  }
0x38: {  	[sflag:s20] =	ssyncset.done $0x0  }
0x39: {  	[sflag:s20] =	ssyncadd.s32 $0xFFFFF800  }
0x3a: {  	_ =	swait.ge [sflag:s20], $0x800  }
0x3b: {  	[sflag:s20] =	ssyncset.done $0x0  }
0x3c: {  	[sflag:s20] =	ssyncadd.s32 $0xFFFFF800  }
0x3d: {  	_ =	swait.ge [sflag:s20], $0x800  }
0x3e: {  	[sflag:s20] =	ssyncset.done $0x0  }
0x3f: {  	s0 =	sadd.s32 $0x100, s31;
	[sflag:s20] =	ssyncadd.s32 $0xFFFFF800  }
0x40: {  	[tilespmem:s13], [sflag:$0x1] =	stream.indirect.gather [hbm4b:s3+s12], $0x80, s0, s12, $0xb8;
	[tilespmem:$0x1F040] =	vst v63  }
0x41: {  	_ =	swait.ge [sflag:s21], $0x2800  }
0x42: {  	[sflag:s21] =	ssyncset.done $0x0  }
0x43: {  	[sflag:s21] =	ssyncadd.s32 $0xFFFFD800  }
0x44: {  	v63 =	vld [tilespmem:s31+$0x8080];
	_ =	sdelay $0x7  }
0x45: {  	[spmem:s1] =	stream.indirect_vreg.scatter.add.f32 [tilespmem:s14], [sflag:$0x4], $0x80, v63, vm0, $0xb8;
	[tilespmem:$0x1F040] =	vst v63  }
0x46: {  	v0 =	vld [tilespmem:s31+$0x8090];
	_ =	sdelay $0x7  }
0x47: {  	[spmem:s1] =	stream.indirect_vreg.scatter.add.f32 [tilespmem:s22], [sflag:$0x4], $0x80, v0, vm0, $0xb8;
	[tilespmem:$0x1F040] =	vst v63  }
0x48: {  	v0 =	vld [tilespmem:s31+$0x80A0];
	_ =	sdelay $0x7  }
0x49: {  	[spmem:s1] =	stream.indirect_vreg.scatter.add.f32 [tilespmem:s23], [sflag:$0x4], $0x80, v0, vm0, $0xb8;
	[tilespmem:$0x1F040] =	vst v63  }
0x4a: {  	v0 =	vld [tilespmem:s31+$0x80B0];
	_ =	sdelay $0x7  }
0x4b: {  	[spmem:s1] =	stream.indirect_vreg.scatter.add.f32 [tilespmem:s24], [sflag:$0x4], $0x80, v0, vm0, $0xb8;
	[tilespmem:$0x1F040] =	vst v63  }
0x4c: {  	v0 =	vld [tilespmem:s31+$0x80C0];
	_ =	sdelay $0x7  }
0x4d: {  	[spmem:s1] =	stream.indirect_vreg.scatter.add.f32 [tilespmem:s25], [sflag:$0x4], $0x80, v0, vm0, $0xb8;
	[tilespmem:$0x1F040] =	vst v63  }
0x4e: {  	_ =	swait.ge [sflag:s26], $0x800  }
0x4f: {  	[sflag:s26] =	ssyncset.done $0x0  }
0x50: {  	[sflag:s26] =	ssyncadd.s32 $0xFFFFF800  }
0x51: {  	_ =	swait.ge [sflag:s26], $0x800  }
0x52: {  	[sflag:s26] =	ssyncset.done $0x0  }
0x53: {  	[sflag:s26] =	ssyncadd.s32 $0xFFFFF800  }
0x54: {  	_ =	swait.ge [sflag:s26], $0x800  }
0x55: {  	[sflag:s26] =	ssyncset.done $0x0  }
0x56: {  	[sflag:s26] =	ssyncadd.s32 $0xFFFFF800  }
0x57: {  	p1 =	sne.s32 s30, $0x1EC00;
	_ =	swait.ge [sflag:s26], $0x800  }
.Ltmp0:
0x58: {  	[sflag:s26] =	ssyncset.done $0x0;
	(pc) =	sbr.rel @p1 .LBB2_2-.Ltmp0, $4  }
0x59: {  	[sflag:s26] =	ssyncadd.s32 $0xFFFFF800  }
0x5a: {  	_ =	swait.ge [sflag:s26], $0x800  }
0x5b: {  	[sflag:s26] =	ssyncset.done $0x0  }
0x5c: {  	s30 =	sadd.s32 $0x400, s30;
	[sflag:s26] =	ssyncadd.s32 $0xFFFFF800  }
0x5d: {  	[tilespmem:s14], [sflag:$0x2] =	stream.indirect.gather [hbm4b:s3+s12], $0x80, s28, s12, $0xb8;
	[tilespmem:$0x1F040] =	vst v63  }
0x5e: {  	_ =	swait.ge [sflag:s15], $0x2800  }
0x5f: {  	[sflag:s15] =	ssyncset.done $0x0  }
0x60: {  	[sflag:s15] =	ssyncadd.s32 $0xFFFFD800  }
0x61: {  	v0 =	vld [tilespmem:$0xFC00];
	_ =	sdelay $0x7  }
0x62: {  	[spmem:s1] =	stream.indirect_vreg.scatter.add.f32 [tilespmem:s13], [sflag:$0x3], $0x80, v0, vm0, $0xb8;
	[tilespmem:$0x1F040] =	vst v63  }
0x63: {  	v0 =	vld [tilespmem:$0xFC10];
	_ =	sdelay $0x7  }
0x64: {  	[spmem:s1] =	stream.indirect_vreg.scatter.add.f32 [tilespmem:s16], [sflag:$0x3], $0x80, v0, vm0, $0xb8;
	[tilespmem:$0x1F040] =	vst v63  }
0x65: {  	v0 =	vld [tilespmem:$0xFC20];
	_ =	sdelay $0x7  }
0x66: {  	[spmem:s1] =	stream.indirect_vreg.scatter.add.f32 [tilespmem:s17], [sflag:$0x3], $0x80, v0, vm0, $0xb8;
	[tilespmem:$0x1F040] =	vst v63  }
0x67: {  	v0 =	vld [tilespmem:$0xFC30];
	_ =	sdelay $0x7  }
0x68: {  	[spmem:s1] =	stream.indirect_vreg.scatter.add.f32 [tilespmem:s18], [sflag:$0x3], $0x80, v0, vm0, $0xb8;
	[tilespmem:$0x1F040] =	vst v63  }
0x69: {  	v0 =	vld [tilespmem:$0xFC40];
	_ =	sdelay $0x7  }
0x6a: {  	[spmem:s1] =	stream.indirect_vreg.scatter.add.f32 [tilespmem:s19], [sflag:$0x3], $0x80, v0, vm0, $0xb8;
	[tilespmem:$0x1F040] =	vst v63  }
0x6b: {  	_ =	swait.ge [sflag:s20], $0x800  }
0x6c: {  	[sflag:s20] =	ssyncset.done $0x0  }
0x6d: {  	[sflag:s20] =	ssyncadd.s32 $0xFFFFF800  }
0x6e: {  	_ =	swait.ge [sflag:s20], $0x800  }
0x6f: {  	[sflag:s20] =	ssyncset.done $0x0  }
0x70: {  	[sflag:s20] =	ssyncadd.s32 $0xFFFFF800  }
0x71: {  	_ =	swait.ge [sflag:s20], $0x800  }
0x72: {  	[sflag:s20] =	ssyncset.done $0x0  }
0x73: {  	[sflag:s20] =	ssyncadd.s32 $0xFFFFF800  }
0x74: {  	_ =	swait.ge [sflag:s20], $0x800  }
0x75: {  	[sflag:s20] =	ssyncset.done $0x0  }
0x76: {  	[sflag:s20] =	ssyncadd.s32 $0xFFFFF800  }
0x77: {  	_ =	swait.ge [sflag:s20], $0x800  }
0x78: {  	[sflag:s20] =	ssyncset.done $0x0  }
0x79: {  	[sflag:s20] =	ssyncadd.s32 $0xFFFFF800  }
0x7a: {  	_ =	swait.ge [sflag:s21], $0x2800  }
0x7b: {  	[sflag:s21] =	ssyncset.done $0x0  }
0x7c: {  	[sflag:s21] =	ssyncadd.s32 $0xFFFFD800  }
0x7d: {  	v63 =	vld [tilespmem:$0xFC80];
	_ =	sdelay $0x7  }
0x7e: {  	[spmem:s1] =	stream.indirect_vreg.scatter.add.f32 [tilespmem:s14], [sflag:$0x4], $0x80, v63, vm0, $0xb8;
	[tilespmem:$0x1F040] =	vst v63  }
0x7f: {  	v0 =	vld [tilespmem:$0xFC90];
	_ =	sdelay $0x7  }
0x80: {  	[spmem:s1] =	stream.indirect_vreg.scatter.add.f32 [tilespmem:s22], [sflag:$0x4], $0x80, v0, vm0, $0xb8;
	[tilespmem:$0x1F040] =	vst v63  }
0x81: {  	v0 =	vld [tilespmem:$0xFCA0];
	_ =	sdelay $0x7  }
0x82: {  	[spmem:s1] =	stream.indirect_vreg.scatter.add.f32 [tilespmem:s23], [sflag:$0x4], $0x80, v0, vm0, $0xb8;
	[tilespmem:$0x1F040] =	vst v63  }
0x83: {  	v0 =	vld [tilespmem:$0xFCB0];
	_ =	sdelay $0x7  }
0x84: {  	[spmem:s1] =	stream.indirect_vreg.scatter.add.f32 [tilespmem:s24], [sflag:$0x4], $0x80, v0, vm0, $0xb8;
	[tilespmem:$0x1F040] =	vst v63  }
0x85: {  	v0 =	vld [tilespmem:$0xFCC0];
	_ =	sdelay $0x7  }
0x86: {  	[spmem:s1] =	stream.indirect_vreg.scatter.add.f32 [tilespmem:s25], [sflag:$0x4], $0x80, v0, vm0, $0xb8;
	[tilespmem:$0x1F040] =	vst v63  }
0x87: {  	_ =	swait.ge [sflag:s26], $0x800  }
0x88: {  	[sflag:s26] =	ssyncset.done $0x0  }
0x89: {  	[sflag:s26] =	ssyncadd.s32 $0xFFFFF800  }
0x8a: {  	_ =	swait.ge [sflag:s26], $0x800  }
0x8b: {  	[sflag:s26] =	ssyncset.done $0x0  }
0x8c: {  	[sflag:s26] =	ssyncadd.s32 $0xFFFFF800  }
0x8d: {  	_ =	swait.ge [sflag:s26], $0x800  }
0x8e: {  	[sflag:s26] =	ssyncset.done $0x0  }
0x8f: {  	[sflag:s26] =	ssyncadd.s32 $0xFFFFF800  }
0x90: {  	_ =	swait.ge [sflag:s26], $0x800  }
0x91: {  	[sflag:s26] =	ssyncset.done $0x0  }
0x92: {  	[sflag:s26] =	ssyncadd.s32 $0xFFFFF800  }
0x93: {  	_ =	swait.ge [sflag:s26], $0x800  }
0x94: {  	[sflag:s26] =	ssyncset.done $0x0  }
0x95: {  	s29 =	sadd.s32 $0x1, s29;
	[sflag:s26] =	ssyncadd.s32 $0xFFFFF800  }
0x96: {  	s0 =	simm.s32 @!p0 $0x1C05;
	p1 =	sne.s32 s29, s8;
	[bflag:$0x0] =	sbarrier.arrive $0xFFFF  }
0x97: {  	[hbm:s7], [sflag:s0] =	dma.local @!p0 [spmem:s9], $0x14080  }
.Ltmp1:
0x98: {  	_ = 	snop;
	(pc) =	sbr.rel @p1 .LBB2_1-.Ltmp1, $4  }
0x99: {  	s0 =	simm.s32 @!p0 $0x5  }
0x9a: {  	_ =	swait.ge @!p0 [sflag:s0], $0x14080  }
0x9b: {  	[sflag:s0] =	ssyncset.done @!p0 $0x0  }
0x9c: {  	[sflag:s0] =	ssyncadd.s32 @!p0 $0xFFFEBF80  }
0x9d: {  	_ =	sfence.sel $0x180000  }
0x9e: {  	[bflag:$0x0] =	sbarrier.arrive $0xFFFF  }
0x9f: {  	_ =	strace $0x90000047  }
0xa0: {  	[bflag:$0x2] =	sbarrier.arrive $0xFFFF  }
0xa1: {  	s0 =	rddreg [dreg:$0x2]  }
0xa2: {  	s0 =	sadd.s32 @!p0 $0x100000, s0  }
0xa3: {  	[sflag:s0] =	ssyncadd.tile.s32 @!p0 $0x1;
	_ =	shalt  }
.Lfunc_end2:
_tile_overlayer_lowered:
.L_overlay_start_2:
0xa4: {  	(tag) =	ssettag $0x2  }
0xa5: {  	s0 =	rddreg [dreg:$0x0];
	s2 =	stileid.u32  }
0xa6: {  	s1 =	rddreg [dreg:$0x1];
	p0 =	sne.s32 s2, $0x0  }
0xa7: {  	s3 =	rddreg [dreg:$0x2];
	[bflag:$0x3] =	sbarrier.arrive $0xFFFF;
	s2 =	simm.s32 @!p0 $0x1C05  }
0xa8: {  	[timem:s3], [sflag:s2] =	dma.local @!p0 [hbm:s0], s1  }
0xa9: {  	s0 =	simm.s32 @!p0 $0x5  }
0xaa: {  	_ =	swait.ge @!p0 [sflag:s0], s1  }
0xab: {  	s1 =	ssub.s32 @!p0 $0x0, s1;
	[sflag:s0] =	ssyncset.done @!p0 $0x0  }
0xac: {  	[sflag:s0] =	ssyncadd.s32 @!p0 s1  }
0xad: {  	[bflag:$0x3] =	sbarrier.arrive $0xFFFF  }
0xae: {  	_ =	shalt  }

</sc_bundles>
